<compile_context>
chip_gen: v7x
topology: tpu7x:2x2x1
jax: 0.10.2.dev20260603
libtpu: 0.0.44.dev20260713+nightly
codegen_flags: <defaults>
</compile_context>

<pallas_src>
import functools

import jax
import jax.numpy as jnp
from jax import lax
from jax.experimental import pallas as pl
from jax.experimental.pallas import tpu as pltpu
from jax.experimental.pallas import tpu_sc as plsc

N = 10000
NPAD = 10240
E = 320000
D = 128
OUT = 100
NC, NS = 2, 16
NW = NC * NS
EPT = E // NW
K = 80
NCHUNK = EPT // K
RPT = NPAD // NS
DEGW = 128

_mesh = plsc.VectorSubcoreMesh(
    core_axis_name="c", subcore_axis_name="s", num_cores=NC, num_subcores=NS
)


def _fill_rows(ref, rows, width, value):
  vec = jnp.full((16,), value, jnp.float32)

  def body(i, c):
    for q in range(width // 16):
      ref[i, pl.ds(q * 16, 16)] = vec
    return c

  lax.fori_loop(0, rows, body, 0)


@functools.partial(
    pl.kernel,
    out_type=jax.ShapeDtypeStruct((NC, NPAD, DEGW), jnp.float32),
    mesh=_mesh,
    scratch_types=[
        pltpu.VMEM((K,), jnp.int32),
        pltpu.VMEM((K, DEGW), jnp.float32),
        pltpu.VMEM_SHARED((NPAD, DEGW), jnp.float32),
    ],
)
def _deg_kernel(dst_hbm, out_hbm, idx_v, ones_v, hist):
  cid = lax.axis_index("c")
  sid = lax.axis_index("s")
  wid = cid * NS + sid

  _fill_rows(ones_v, K, DEGW, 0.0)
  for z in range(RPT // K):
    pltpu.sync_copy(ones_v, hist.at[pl.ds(sid * RPT + z * K, K)])
  _fill_rows(ones_v, K, DEGW, 1.0)
  plsc.subcore_barrier()

  base = wid * EPT

  def chunk(j, c):
    pltpu.sync_copy(dst_hbm.at[pl.ds(base + j * K, K)], idx_v)
    pltpu.sync_copy(ones_v, hist.at[idx_v], add=True)
    return c

  lax.fori_loop(0, NCHUNK, chunk, 0)
  plsc.subcore_barrier()
  pltpu.sync_copy(
      hist.at[pl.ds(sid * RPT, RPT)],
      out_hbm.at[cid].at[pl.ds(sid * RPT, RPT)],
  )


@functools.partial(
    pl.kernel,
    out_type=jax.ShapeDtypeStruct((NC, NPAD, D), jnp.float32),
    mesh=_mesh,
    scratch_types=[
        pltpu.VMEM((K,), jnp.int32),
        pltpu.VMEM((K,), jnp.int32),
        pltpu.VMEM((K, D), jnp.float32),
        pltpu.VMEM((K, D), jnp.float32),
        pltpu.VMEM_SHARED((NPAD, D), jnp.float32),
        pltpu.SemaphoreType.DMA,
    ],
)
def _acc_kernel(y_hbm, src_hbm, dst_hbm, out_hbm, src_v, dst_v, rows_v,
                zeros_v, acc, sem):
  cid = lax.axis_index("c")
  sid = lax.axis_index("s")
  wid = cid * NS + sid

  _fill_rows(zeros_v, K, D, 0.0)
  for z in range(RPT // K):
    pltpu.sync_copy(zeros_v, acc.at[pl.ds(sid * RPT + z * K, K)])
  plsc.subcore_barrier()

  base = wid * EPT

  def chunk(j, c):
    pltpu.sync_copy(src_hbm.at[pl.ds(base + j * K, K)], src_v)
    pltpu.sync_copy(dst_hbm.at[pl.ds(base + j * K, K)], dst_v)
    pltpu.async_copy(y_hbm.at[src_v], rows_v, sem).wait()
    pltpu.sync_copy(rows_v, acc.at[dst_v], add=True)
    return c

  lax.fori_loop(0, NCHUNK, chunk, 0)
  plsc.subcore_barrier()
  pltpu.sync_copy(
      acc.at[pl.ds(sid * RPT, RPT)],
      out_hbm.at[cid].at[pl.ds(sid * RPT, RPT)],
  )


_GRID = NPAD // 1024


def _tcA_body(x_ref, w_ref, da_ref, db_ref, y_ref, dinv_ref):
  deg = da_ref[:, 0:1] + db_ref[:, 0:1] + 1.0
  dinv = lax.rsqrt(deg)
  y_ref[...] = (
      jnp.dot(x_ref[...], w_ref[...], preferred_element_type=jnp.float32)
      * dinv
  )
  dinv_ref[...] = dinv


def _tcB_body(a0_ref, a1_ref, y1_ref, dinv_ref, b1_ref, w2_ref, y2_ref):
  dinv = dinv_ref[...]
  h = dinv * (a0_ref[...] + a1_ref[...] + y1_ref[...]) + b1_ref[...]
  h = jnp.maximum(h, 0.0)
  y2_ref[...] = (
      jnp.dot(h, w2_ref[...], preferred_element_type=jnp.float32) * dinv
  )


def _tcC_body(a0_ref, a1_ref, y2_ref, dinv_ref, b2_ref, out_ref):
  t = dinv_ref[...] * (a0_ref[...] + a1_ref[...] + y2_ref[...]) + b2_ref[...]
  out_ref[...] = t[:, :OUT]


def _row_spec(w):
  return pl.BlockSpec((1024, w), lambda i: (i, 0))


def _full_spec(shape):
  return pl.BlockSpec(shape, lambda i: tuple(0 for _ in shape))


def kernel(x, edge_index, W1, b1, W2, b2):
  src = edge_index[0].astype(jnp.int32)
  dst = edge_index[1].astype(jnp.int32)
  xp = jnp.pad(x, ((0, NPAD - N), (0, 0)))
  w2p = jnp.pad(W2, ((0, 0), (0, D - OUT)))
  b1r = b1.reshape(1, D)
  b2r = jnp.pad(b2, (0, D - OUT)).reshape(1, D)

  deg_parts = _deg_kernel(dst)

  y1, dinv = pl.pallas_call(
      _tcA_body,
      grid=(_GRID,),
      in_specs=[
          _row_spec(D),
          _full_spec((D, D)),
          _row_spec(DEGW),
          _row_spec(DEGW),
      ],
      out_specs=[_row_spec(D), _row_spec(1)],
      out_shape=[
          jax.ShapeDtypeStruct((NPAD, D), jnp.float32),
          jax.ShapeDtypeStruct((NPAD, 1), jnp.float32),
      ],
  )(xp, W1, deg_parts[0], deg_parts[1])

  acc1 = _acc_kernel(y1, src, dst)

  y2 = pl.pallas_call(
      _tcB_body,
      grid=(_GRID,),
      in_specs=[
          _row_spec(D),
          _row_spec(D),
          _row_spec(D),
          _row_spec(1),
          _full_spec((1, D)),
          _full_spec((D, D)),
      ],
      out_specs=_row_spec(D),
      out_shape=jax.ShapeDtypeStruct((NPAD, D), jnp.float32),
  )(acc1[0], acc1[1], y1, dinv, b1r, w2p)

  acc2 = _acc_kernel(y2, src, dst)

  outp = pl.pallas_call(
      _tcC_body,
      grid=(_GRID,),
      in_specs=[
          _row_spec(D),
          _row_spec(D),
          _row_spec(D),
          _row_spec(1),
          _full_spec((1, D)),
      ],
      out_specs=_row_spec(OUT),
      out_shape=jax.ShapeDtypeStruct((NPAD, OUT), jnp.float32),
  )(acc2[0], acc2[1], y2, dinv, b2r)

  return outp[:N]

# --- scband reference (transcript-rebuilt; emitter-appended) ---
"""Pipeline reference for scband-gcn-yelp-2-13606456394532 (READ-ONLY COPY).

The authoritative reference and input builder live on the scoring server;
editing this copy changes nothing except your own understanding.
"""

import jax, jax.numpy as jnp
import numpy as np

N_NODES = 10000
N_EDGES = 320000
IN_DIM = 128
HID_DIM = 128
OUT_DIM = 100


def gcn_conv(x, W, b, src, dst, n):
    # PyG GCNConv: linear transform first, then normalized aggregation, then bias
    x = x @ W
    # add self loops
    loop = jnp.arange(n, dtype=src.dtype)
    src2 = jnp.concatenate([src, loop])
    dst2 = jnp.concatenate([dst, loop])
    # symmetric normalization deg^{-1/2} on both endpoints (deg includes self loops)
    deg = jnp.zeros((n,), dtype=x.dtype).at[dst2].add(1.0)
    dinv = jax.lax.rsqrt(deg)
    coeff = dinv[src2] * dinv[dst2]
    msg = x[src2] * coeff[:, None]
    out = jnp.zeros((n, x.shape[1]), dtype=x.dtype).at[dst2].add(msg)
    return out + b


def setup_inputs(seed: int = 0) -> dict:
    key = jax.random.key(seed)
    k_x, k_e, k_w1, k_b1, k_w2, k_b2 = jax.random.split(key, 6)
    x = jax.random.normal(k_x, (N_NODES, IN_DIM), dtype=jnp.float32)
    edge_index = jax.random.randint(k_e, (2, N_EDGES), 0, N_NODES)
    # Glorot-style init for GCN weights, zeros for bias (matches PyG defaults)
    s1 = float(np.sqrt(6.0 / (IN_DIM + HID_DIM)))
    s2 = float(np.sqrt(6.0 / (HID_DIM + OUT_DIM)))
    W1 = jax.random.uniform(k_w1, (IN_DIM, HID_DIM), minval=-s1, maxval=s1, dtype=jnp.float32)
    b1 = jnp.zeros((HID_DIM,), dtype=jnp.float32)
    W2 = jax.random.uniform(k_w2, (HID_DIM, OUT_DIM), minval=-s2, maxval=s2, dtype=jnp.float32)
    b2 = jnp.zeros((OUT_DIM,), dtype=jnp.float32)
    return {"x": x, "edge_index": edge_index, "W1": W1, "b1": b1, "W2": W2, "b2": b2}


def reference(x, edge_index, W1, b1, W2, b2):
    src = edge_index[0]
    dst = edge_index[1]
    h = jax.nn.relu(gcn_conv(x, W1, b1, src, dst, N_NODES))
    # dropout is identity in eval mode (training=False)
    out = gcn_conv(h, W2, b2, src, dst, N_NODES)
    return out

if __name__ == "__main__":
    import jax
    _d = setup_inputs()
    print(jax.jit(kernel)(*tuple(_d.values())))

</pallas_src>

<mosaic_0001>
#map = affine_map<(d0, d1) -> (0, 0)>
#map1 = affine_map<(d0, d1) -> (0)>
#map2 = affine_map<(d0, d1) -> (0, 0, 0)>
module attributes {stable_mosaic.version = 14 : i64} {
  func.func @_acc_kernel(%arg0: i32, %arg1: i32, %arg2: memref<10240x128xf32, #tpu.memory_space<hbm>>, %arg3: memref<320000xi32, #tpu.memory_space<hbm>>, %arg4: memref<320000xi32, #tpu.memory_space<hbm>>, %arg5: memref<2x10240x128xf32, #tpu.memory_space<hbm>>, %arg6: memref<80xi32, #tpu.memory_space<vmem>>, %arg7: memref<80xi32, #tpu.memory_space<vmem>>, %arg8: memref<80x128xf32, #tpu.memory_space<vmem>>, %arg9: memref<80x128xf32, #tpu.memory_space<vmem>>, %arg10: memref<10240x128xf32, #tpu.memory_space<vmem_shared>>, %arg11: memref<!tpu.dma_semaphore, #tpu.memory_space<semaphore_mem>>) attributes {dimension_semantics = [#tpu.dimension_semantics<core_parallel>, #tpu.dimension_semantics<subcore_parallel>], iteration_bounds = array<i64: 2, 16>, scalar_prefetch = 0 : i64, scratch_operands = 6 : i64, tpu.core_type = #tpu.core_type<sc_vector_subcore>, window_params = [{transform_indices = #map}, {transform_indices = #map1}, {transform_indices = #map1}, {transform_indices = #map2}]} {
    %mul3A = arith.constant 16 : i32
    %mul3A_0 = arith.muli %arg0, %mul3A : i32
    %add3A = arith.addi %mul3A_0, %arg1 : i32
    %broadcast_in_dim3A = arith.constant 0.000000e+00 : f32
    %broadcast_in_dim3A_1 = vector.broadcast %broadcast_in_dim3A : f32 to vector<16xf32>
    %scan3A = arith.constant 0 : i32
    %scan3A_2 = arith.constant 0 : i32
    %scan3A_3 = arith.constant 80 : i32
    %scan3A_4 = arith.addi %scan3A_2, %scan3A_3 : i32
    %scan3A_5 = arith.constant 1 : i32
    scf.for %scan3A_52 = %scan3A_2 to %scan3A_4 step %scan3A_5  : i32 {
      %swap3A = arith.index_cast %scan3A_52 : i32 to index
      %swap3A_53 = arith.constant 0 : index
      %swap3A_54 = tpu.vector_load %arg9[%swap3A, %swap3A_53] {strides = array<i32>} : memref<80x128xf32, #tpu.memory_space<vmem>>, vector<1x16xf32>,
      %swap3A_55 = vector.shape_cast %swap3A_54 : vector<1x16xf32> to vector<16xf32>
      %swap3A_56 = vector.shape_cast %broadcast_in_dim3A_1 : vector<16xf32> to vector<1x16xf32>
      tpu.vector_store %arg9[%swap3A, %swap3A_53], %swap3A_56 {strides = array<i32>} : memref<80x128xf32, #tpu.memory_space<vmem>>, vector<1x16xf32>,
      %swap3A_57 = arith.index_cast %scan3A_52 : i32 to index
      %swap3A_58 = arith.constant 16 : index
      %swap3A_59 = tpu.vector_load %arg9[%swap3A_57, %swap3A_58] {strides = array<i32>} : memref<80x128xf32, #tpu.memory_space<vmem>>, vector<1x16xf32>,
      %swap3A_60 = vector.shape_cast %swap3A_59 : vector<1x16xf32> to vector<16xf32>
      %swap3A_61 = vector.shape_cast %broadcast_in_dim3A_1 : vector<16xf32> to vector<1x16xf32>
      tpu.vector_store %arg9[%swap3A_57, %swap3A_58], %swap3A_61 {strides = array<i32>} : memref<80x128xf32, #tpu.memory_space<vmem>>, vector<1x16xf32>,
      %swap3A_62 = arith.index_cast %scan3A_52 : i32 to index
      %swap3A_63 = arith.constant 32 : index
      %swap3A_64 = tpu.vector_load %arg9[%swap3A_62, %swap3A_63] {strides = array<i32>} : memref<80x128xf32, #tpu.memory_space<vmem>>, vector<1x16xf32>,
      %swap3A_65 = vector.shape_cast %swap3A_64 : vector<1x16xf32> to vector<16xf32>
      %swap3A_66 = vector.shape_cast %broadcast_in_dim3A_1 : vector<16xf32> to vector<1x16xf32>
      tpu.vector_store %arg9[%swap3A_62, %swap3A_63], %swap3A_66 {strides = array<i32>} : memref<80x128xf32, #tpu.memory_space<vmem>>, vector<1x16xf32>,
      %swap3A_67 = arith.index_cast %scan3A_52 : i32 to index
      %swap3A_68 = arith.constant 48 : index
      %swap3A_69 = tpu.vector_load %arg9[%swap3A_67, %swap3A_68] {strides = array<i32>} : memref<80x128xf32, #tpu.memory_space<vmem>>, vector<1x16xf32>,
      %swap3A_70 = vector.shape_cast %swap3A_69 : vector<1x16xf32> to vector<16xf32>
      %swap3A_71 = vector.shape_cast %broadcast_in_dim3A_1 : vector<16xf32> to vector<1x16xf32>
      tpu.vector_store %arg9[%swap3A_67, %swap3A_68], %swap3A_71 {strides = array<i32>} : memref<80x128xf32, #tpu.memory_space<vmem>>, vector<1x16xf32>,
      %swap3A_72 = arith.index_cast %scan3A_52 : i32 to index
      %swap3A_73 = arith.constant 64 : index
      %swap3A_74 = tpu.vector_load %arg9[%swap3A_72, %swap3A_73] {strides = array<i32>} : memref<80x128xf32, #tpu.memory_space<vmem>>, vector<1x16xf32>,
      %swap3A_75 = vector.shape_cast %swap3A_74 : vector<1x16xf32> to vector<16xf32>
      %swap3A_76 = vector.shape_cast %broadcast_in_dim3A_1 : vector<16xf32> to vector<1x16xf32>
      tpu.vector_store %arg9[%swap3A_72, %swap3A_73], %swap3A_76 {strides = array<i32>} : memref<80x128xf32, #tpu.memory_space<vmem>>, vector<1x16xf32>,
      %swap3A_77 = arith.index_cast %scan3A_52 : i32 to index
      %swap3A_78 = arith.constant 80 : index
      %swap3A_79 = tpu.vector_load %arg9[%swap3A_77, %swap3A_78] {strides = array<i32>} : memref<80x128xf32, #tpu.memory_space<vmem>>, vector<1x16xf32>,
      %swap3A_80 = vector.shape_cast %swap3A_79 : vector<1x16xf32> to vector<16xf32>
      %swap3A_81 = vector.shape_cast %broadcast_in_dim3A_1 : vector<16xf32> to vector<1x16xf32>
      tpu.vector_store %arg9[%swap3A_77, %swap3A_78], %swap3A_81 {strides = array<i32>} : memref<80x128xf32, #tpu.memory_space<vmem>>, vector<1x16xf32>,
      %swap3A_82 = arith.index_cast %scan3A_52 : i32 to index
      %swap3A_83 = arith.constant 96 : index
      %swap3A_84 = tpu.vector_load %arg9[%swap3A_82, %swap3A_83] {strides = array<i32>} : memref<80x128xf32, #tpu.memory_space<vmem>>, vector<1x16xf32>,
      %swap3A_85 = vector.shape_cast %swap3A_84 : vector<1x16xf32> to vector<16xf32>
      %swap3A_86 = vector.shape_cast %broadcast_in_dim3A_1 : vector<16xf32> to vector<1x16xf32>
      tpu.vector_store %arg9[%swap3A_82, %swap3A_83], %swap3A_86 {strides = array<i32>} : memref<80x128xf32, #tpu.memory_space<vmem>>, vector<1x16xf32>,
      %swap3A_87 = arith.index_cast %scan3A_52 : i32 to index
      %swap3A_88 = arith.constant 112 : index
      %swap3A_89 = tpu.vector_load %arg9[%swap3A_87, %swap3A_88] {strides = array<i32>} : memref<80x128xf32, #tpu.memory_space<vmem>>, vector<1x16xf32>,
      %swap3A_90 = vector.shape_cast %swap3A_89 : vector<1x16xf32> to vector<16xf32>
      %swap3A_91 = vector.shape_cast %broadcast_in_dim3A_1 : vector<16xf32> to vector<1x16xf32>
      tpu.vector_store %arg9[%swap3A_87, %swap3A_88], %swap3A_91 {strides = array<i32>} : memref<80x128xf32, #tpu.memory_space<vmem>>, vector<1x16xf32>,
    }
    %scan3A_6 = arith.constant 80 : i32
    %mul3A_7 = arith.constant 640 : i32
    %mul3A_8 = arith.muli %arg1, %mul3A_7 : i32
    %add3A_9 = arith.constant 0 : i32
    %add3A_10 = arith.addi %mul3A_8, %add3A_9 : i32
    "tpu.region"() ({
      %run_scoped3A = tpu.sem_alloc : memref<!tpu.dma_semaphore, #tpu.memory_space<semaphore_mem>>
      %dma_start3A = arith.constant 0 : i32
      %dma_start3A_52 = tpu.memref_slice %arg10[%add3A_10, %dma_start3A] : memref<10240x128xf32, #tpu.memory_space<vmem_shared>> -> memref<80x128xf32, #tpu.memory_space<vmem_shared>>
      %dma_start3A_53 = arith.constant 0 : i32
      %dma_start3A_54 = tpu.memref_slice %arg10[%add3A_10, %dma_start3A_53] : memref<10240x128xf32, #tpu.memory_space<vmem_shared>> -> memref<80x128xf32, #tpu.memory_space<vmem_shared>>
      tpu.enqueue_dma source(%arg9 : memref<80x128xf32, #tpu.memory_space<vmem>>) target(%dma_start3A_54 : memref<80x128xf32, #tpu.memory_space<vmem_shared>>) target_semaphore(%run_scoped3A : memref<!tpu.dma_semaphore, #tpu.memory_space<semaphore_mem>>)
      %dma_wait3A = arith.constant 0 : i32
      %dma_wait3A_55 = tpu.memref_slice %arg10[%add3A_10, %dma_wait3A] : memref<10240x128xf32, #tpu.memory_space<vmem_shared>> -> memref<80x128xf32, #tpu.memory_space<vmem_shared>>
      %dma_wait3A_56 = arith.constant 0 : i32
      %dma_wait3A_57 = tpu.memref_slice %arg10[%add3A_10, %dma_wait3A_56] : memref<10240x128xf32, #tpu.memory_space<vmem_shared>> -> memref<80x128xf32, #tpu.memory_space<vmem_shared>>
      tpu.wait_dma2 semaphore(%run_scoped3A : memref<!tpu.dma_semaphore, #tpu.memory_space<semaphore_mem>>) src(%arg9 : memref<80x128xf32, #tpu.memory_space<vmem>>) dst(%dma_wait3A_57 : memref<80x128xf32, #tpu.memory_space<vmem_shared>>)
      tpu.yield
    }) : () -> ()
    %mul3A_11 = arith.constant 640 : i32
    %mul3A_12 = arith.muli %arg1, %mul3A_11 : i32
    %add3A_13 = arith.constant 80 : i32
    %add3A_14 = arith.addi %mul3A_12, %add3A_13 : i32
    "tpu.region"() ({
      %run_scoped3A = tpu.sem_alloc : memref<!tpu.dma_semaphore, #tpu.memory_space<semaphore_mem>>
      %dma_start3A = arith.constant 0 : i32
      %dma_start3A_52 = tpu.memref_slice %arg10[%add3A_14, %dma_start3A] : memref<10240x128xf32, #tpu.memory_space<vmem_shared>> -> memref<80x128xf32, #tpu.memory_space<vmem_shared>>
      %dma_start3A_53 = arith.constant 0 : i32
      %dma_start3A_54 = tpu.memref_slice %arg10[%add3A_14, %dma_start3A_53] : memref<10240x128xf32, #tpu.memory_space<vmem_shared>> -> memref<80x128xf32, #tpu.memory_space<vmem_shared>>
      tpu.enqueue_dma source(%arg9 : memref<80x128xf32, #tpu.memory_space<vmem>>) target(%dma_start3A_54 : memref<80x128xf32, #tpu.memory_space<vmem_shared>>) target_semaphore(%run_scoped3A : memref<!tpu.dma_semaphore, #tpu.memory_space<semaphore_mem>>)
      %dma_wait3A = arith.constant 0 : i32
      %dma_wait3A_55 = tpu.memref_slice %arg10[%add3A_14, %dma_wait3A] : memref<10240x128xf32, #tpu.memory_space<vmem_shared>> -> memref<80x128xf32, #tpu.memory_space<vmem_shared>>
      %dma_wait3A_56 = arith.constant 0 : i32
      %dma_wait3A_57 = tpu.memref_slice %arg10[%add3A_14, %dma_wait3A_56] : memref<10240x128xf32, #tpu.memory_space<vmem_shared>> -> memref<80x128xf32, #tpu.memory_space<vmem_shared>>
      tpu.wait_dma2 semaphore(%run_scoped3A : memref<!tpu.dma_semaphore, #tpu.memory_space<semaphore_mem>>) src(%arg9 : memref<80x128xf32, #tpu.memory_space<vmem>>) dst(%dma_wait3A_57 : memref<80x128xf32, #tpu.memory_space<vmem_shared>>)
      tpu.yield
    }) : () -> ()
    %mul3A_15 = arith.constant 640 : i32
    %mul3A_16 = arith.muli %arg1, %mul3A_15 : i32
    %add3A_17 = arith.constant 160 : i32
    %add3A_18 = arith.addi %mul3A_16, %add3A_17 : i32
    "tpu.region"() ({
      %run_scoped3A = tpu.sem_alloc : memref<!tpu.dma_semaphore, #tpu.memory_space<semaphore_mem>>
      %dma_start3A = arith.constant 0 : i32
      %dma_start3A_52 = tpu.memref_slice %arg10[%add3A_18, %dma_start3A] : memref<10240x128xf32, #tpu.memory_space<vmem_shared>> -> memref<80x128xf32, #tpu.memory_space<vmem_shared>>
      %dma_start3A_53 = arith.constant 0 : i32
      %dma_start3A_54 = tpu.memref_slice %arg10[%add3A_18, %dma_start3A_53] : memref<10240x128xf32, #tpu.memory_space<vmem_shared>> -> memref<80x128xf32, #tpu.memory_space<vmem_shared>>
      tpu.enqueue_dma source(%arg9 : memref<80x128xf32, #tpu.memory_space<vmem>>) target(%dma_start3A_54 : memref<80x128xf32, #tpu.memory_space<vmem_shared>>) target_semaphore(%run_scoped3A : memref<!tpu.dma_semaphore, #tpu.memory_space<semaphore_mem>>)
      %dma_wait3A = arith.constant 0 : i32
      %dma_wait3A_55 = tpu.memref_slice %arg10[%add3A_18, %dma_wait3A] : memref<10240x128xf32, #tpu.memory_space<vmem_shared>> -> memref<80x128xf32, #tpu.memory_space<vmem_shared>>
      %dma_wait3A_56 = arith.constant 0 : i32
      %dma_wait3A_57 = tpu.memref_slice %arg10[%add3A_18, %dma_wait3A_56] : memref<10240x128xf32, #tpu.memory_space<vmem_shared>> -> memref<80x128xf32, #tpu.memory_space<vmem_shared>>
      tpu.wait_dma2 semaphore(%run_scoped3A : memref<!tpu.dma_semaphore, #tpu.memory_space<semaphore_mem>>) src(%arg9 : memref<80x128xf32, #tpu.memory_space<vmem>>) dst(%dma_wait3A_57 : memref<80x128xf32, #tpu.memory_space<vmem_shared>>)
      tpu.yield
    }) : () -> ()
    %mul3A_19 = arith.constant 640 : i32
    %mul3A_20 = arith.muli %arg1, %mul3A_19 : i32
    %add3A_21 = arith.constant 240 : i32
    %add3A_22 = arith.addi %mul3A_20, %add3A_21 : i32
    "tpu.region"() ({
      %run_scoped3A = tpu.sem_alloc : memref<!tpu.dma_semaphore, #tpu.memory_space<semaphore_mem>>
      %dma_start3A = arith.constant 0 : i32
      %dma_start3A_52 = tpu.memref_slice %arg10[%add3A_22, %dma_start3A] : memref<10240x128xf32, #tpu.memory_space<vmem_shared>> -> memref<80x128xf32, #tpu.memory_space<vmem_shared>>
      %dma_start3A_53 = arith.constant 0 : i32
      %dma_start3A_54 = tpu.memref_slice %arg10[%add3A_22, %dma_start3A_53] : memref<10240x128xf32, #tpu.memory_space<vmem_shared>> -> memref<80x128xf32, #tpu.memory_space<vmem_shared>>
      tpu.enqueue_dma source(%arg9 : memref<80x128xf32, #tpu.memory_space<vmem>>) target(%dma_start3A_54 : memref<80x128xf32, #tpu.memory_space<vmem_shared>>) target_semaphore(%run_scoped3A : memref<!tpu.dma_semaphore, #tpu.memory_space<semaphore_mem>>)
      %dma_wait3A = arith.constant 0 : i32
      %dma_wait3A_55 = tpu.memref_slice %arg10[%add3A_22, %dma_wait3A] : memref<10240x128xf32, #tpu.memory_space<vmem_shared>> -> memref<80x128xf32, #tpu.memory_space<vmem_shared>>
      %dma_wait3A_56 = arith.constant 0 : i32
      %dma_wait3A_57 = tpu.memref_slice %arg10[%add3A_22, %dma_wait3A_56] : memref<10240x128xf32, #tpu.memory_space<vmem_shared>> -> memref<80x128xf32, #tpu.memory_space<vmem_shared>>
      tpu.wait_dma2 semaphore(%run_scoped3A : memref<!tpu.dma_semaphore, #tpu.memory_space<semaphore_mem>>) src(%arg9 : memref<80x128xf32, #tpu.memory_space<vmem>>) dst(%dma_wait3A_57 : memref<80x128xf32, #tpu.memory_space<vmem_shared>>)
      tpu.yield
    }) : () -> ()
    %mul3A_23 = arith.constant 640 : i32
    %mul3A_24 = arith.muli %arg1, %mul3A_23 : i32
    %add3A_25 = arith.constant 320 : i32
    %add3A_26 = arith.addi %mul3A_24, %add3A_25 : i32
    "tpu.region"() ({
      %run_scoped3A = tpu.sem_alloc : memref<!tpu.dma_semaphore, #tpu.memory_space<semaphore_mem>>
      %dma_start3A = arith.constant 0 : i32
      %dma_start3A_52 = tpu.memref_slice %arg10[%add3A_26, %dma_start3A] : memref<10240x128xf32, #tpu.memory_space<vmem_shared>> -> memref<80x128xf32, #tpu.memory_space<vmem_shared>>
      %dma_start3A_53 = arith.constant 0 : i32
      %dma_start3A_54 = tpu.memref_slice %arg10[%add3A_26, %dma_start3A_53] : memref<10240x128xf32, #tpu.memory_space<vmem_shared>> -> memref<80x128xf32, #tpu.memory_space<vmem_shared>>
      tpu.enqueue_dma source(%arg9 : memref<80x128xf32, #tpu.memory_space<vmem>>) target(%dma_start3A_54 : memref<80x128xf32, #tpu.memory_space<vmem_shared>>) target_semaphore(%run_scoped3A : memref<!tpu.dma_semaphore, #tpu.memory_space<semaphore_mem>>)
      %dma_wait3A = arith.constant 0 : i32
      %dma_wait3A_55 = tpu.memref_slice %arg10[%add3A_26, %dma_wait3A] : memref<10240x128xf32, #tpu.memory_space<vmem_shared>> -> memref<80x128xf32, #tpu.memory_space<vmem_shared>>
      %dma_wait3A_56 = arith.constant 0 : i32
      %dma_wait3A_57 = tpu.memref_slice %arg10[%add3A_26, %dma_wait3A_56] : memref<10240x128xf32, #tpu.memory_space<vmem_shared>> -> memref<80x128xf32, #tpu.memory_space<vmem_shared>>
      tpu.wait_dma2 semaphore(%run_scoped3A : memref<!tpu.dma_semaphore, #tpu.memory_space<semaphore_mem>>) src(%arg9 : memref<80x128xf32, #tpu.memory_space<vmem>>) dst(%dma_wait3A_57 : memref<80x128xf32, #tpu.memory_space<vmem_shared>>)
      tpu.yield
    }) : () -> ()
    %mul3A_27 = arith.constant 640 : i32
    %mul3A_28 = arith.muli %arg1, %mul3A_27 : i32
    %add3A_29 = arith.constant 400 : i32
    %add3A_30 = arith.addi %mul3A_28, %add3A_29 : i32
    "tpu.region"() ({
      %run_scoped3A = tpu.sem_alloc : memref<!tpu.dma_semaphore, #tpu.memory_space<semaphore_mem>>
      %dma_start3A = arith.constant 0 : i32
      %dma_start3A_52 = tpu.memref_slice %arg10[%add3A_30, %dma_start3A] : memref<10240x128xf32, #tpu.memory_space<vmem_shared>> -> memref<80x128xf32, #tpu.memory_space<vmem_shared>>
      %dma_start3A_53 = arith.constant 0 : i32
      %dma_start3A_54 = tpu.memref_slice %arg10[%add3A_30, %dma_start3A_53] : memref<10240x128xf32, #tpu.memory_space<vmem_shared>> -> memref<80x128xf32, #tpu.memory_space<vmem_shared>>
      tpu.enqueue_dma source(%arg9 : memref<80x128xf32, #tpu.memory_space<vmem>>) target(%dma_start3A_54 : memref<80x128xf32, #tpu.memory_space<vmem_shared>>) target_semaphore(%run_scoped3A : memref<!tpu.dma_semaphore, #tpu.memory_space<semaphore_mem>>)
      %dma_wait3A = arith.constant 0 : i32
      %dma_wait3A_55 = tpu.memref_slice %arg10[%add3A_30, %dma_wait3A] : memref<10240x128xf32, #tpu.memory_space<vmem_shared>> -> memref<80x128xf32, #tpu.memory_space<vmem_shared>>
      %dma_wait3A_56 = arith.constant 0 : i32
      %dma_wait3A_57 = tpu.memref_slice %arg10[%add3A_30, %dma_wait3A_56] : memref<10240x128xf32, #tpu.memory_space<vmem_shared>> -> memref<80x128xf32, #tpu.memory_space<vmem_shared>>
      tpu.wait_dma2 semaphore(%run_scoped3A : memref<!tpu.dma_semaphore, #tpu.memory_space<semaphore_mem>>) src(%arg9 : memref<80x128xf32, #tpu.memory_space<vmem>>) dst(%dma_wait3A_57 : memref<80x128xf32, #tpu.memory_space<vmem_shared>>)
      tpu.yield
    }) : () -> ()
    %mul3A_31 = arith.constant 640 : i32
    %mul3A_32 = arith.muli %arg1, %mul3A_31 : i32
    %add3A_33 = arith.constant 480 : i32
    %add3A_34 = arith.addi %mul3A_32, %add3A_33 : i32
    "tpu.region"() ({
      %run_scoped3A = tpu.sem_alloc : memref<!tpu.dma_semaphore, #tpu.memory_space<semaphore_mem>>
      %dma_start3A = arith.constant 0 : i32
      %dma_start3A_52 = tpu.memref_slice %arg10[%add3A_34, %dma_start3A] : memref<10240x128xf32, #tpu.memory_space<vmem_shared>> -> memref<80x128xf32, #tpu.memory_space<vmem_shared>>
      %dma_start3A_53 = arith.constant 0 : i32
      %dma_start3A_54 = tpu.memref_slice %arg10[%add3A_34, %dma_start3A_53] : memref<10240x128xf32, #tpu.memory_space<vmem_shared>> -> memref<80x128xf32, #tpu.memory_space<vmem_shared>>
      tpu.enqueue_dma source(%arg9 : memref<80x128xf32, #tpu.memory_space<vmem>>) target(%dma_start3A_54 : memref<80x128xf32, #tpu.memory_space<vmem_shared>>) target_semaphore(%run_scoped3A : memref<!tpu.dma_semaphore, #tpu.memory_space<semaphore_mem>>)
      %dma_wait3A = arith.constant 0 : i32
      %dma_wait3A_55 = tpu.memref_slice %arg10[%add3A_34, %dma_wait3A] : memref<10240x128xf32, #tpu.memory_space<vmem_shared>> -> memref<80x128xf32, #tpu.memory_space<vmem_shared>>
      %dma_wait3A_56 = arith.constant 0 : i32
      %dma_wait3A_57 = tpu.memref_slice %arg10[%add3A_34, %dma_wait3A_56] : memref<10240x128xf32, #tpu.memory_space<vmem_shared>> -> memref<80x128xf32, #tpu.memory_space<vmem_shared>>
      tpu.wait_dma2 semaphore(%run_scoped3A : memref<!tpu.dma_semaphore, #tpu.memory_space<semaphore_mem>>) src(%arg9 : memref<80x128xf32, #tpu.memory_space<vmem>>) dst(%dma_wait3A_57 : memref<80x128xf32, #tpu.memory_space<vmem_shared>>)
      tpu.yield
    }) : () -> ()
    %mul3A_35 = arith.constant 640 : i32
    %mul3A_36 = arith.muli %arg1, %mul3A_35 : i32
    %add3A_37 = arith.constant 560 : i32
    %add3A_38 = arith.addi %mul3A_36, %add3A_37 : i32
    "tpu.region"() ({
      %run_scoped3A = tpu.sem_alloc : memref<!tpu.dma_semaphore, #tpu.memory_space<semaphore_mem>>
      %dma_start3A = arith.constant 0 : i32
      %dma_start3A_52 = tpu.memref_slice %arg10[%add3A_38, %dma_start3A] : memref<10240x128xf32, #tpu.memory_space<vmem_shared>> -> memref<80x128xf32, #tpu.memory_space<vmem_shared>>
      %dma_start3A_53 = arith.constant 0 : i32
      %dma_start3A_54 = tpu.memref_slice %arg10[%add3A_38, %dma_start3A_53] : memref<10240x128xf32, #tpu.memory_space<vmem_shared>> -> memref<80x128xf32, #tpu.memory_space<vmem_shared>>
      tpu.enqueue_dma source(%arg9 : memref<80x128xf32, #tpu.memory_space<vmem>>) target(%dma_start3A_54 : memref<80x128xf32, #tpu.memory_space<vmem_shared>>) target_semaphore(%run_scoped3A : memref<!tpu.dma_semaphore, #tpu.memory_space<semaphore_mem>>)
      %dma_wait3A = arith.constant 0 : i32
      %dma_wait3A_55 = tpu.memref_slice %arg10[%add3A_38, %dma_wait3A] : memref<10240x128xf32, #tpu.memory_space<vmem_shared>> -> memref<80x128xf32, #tpu.memory_space<vmem_shared>>
      %dma_wait3A_56 = arith.constant 0 : i32
      %dma_wait3A_57 = tpu.memref_slice %arg10[%add3A_38, %dma_wait3A_56] : memref<10240x128xf32, #tpu.memory_space<vmem_shared>> -> memref<80x128xf32, #tpu.memory_space<vmem_shared>>
      tpu.wait_dma2 semaphore(%run_scoped3A : memref<!tpu.dma_semaphore, #tpu.memory_space<semaphore_mem>>) src(%arg9 : memref<80x128xf32, #tpu.memory_space<vmem>>) dst(%dma_wait3A_57 : memref<80x128xf32, #tpu.memory_space<vmem_shared>>)
      tpu.yield
    }) : () -> ()
    %barrier3A = arith.constant 0 : index
    tpu.barrier barrier_id(%barrier3A)
    %mul3A_39 = arith.constant 10000 : i32
    %mul3A_40 = arith.muli %add3A, %mul3A_39 : i32
    %scan3A_41 = arith.constant 0 : i32
    %scan3A_42 = arith.constant 0 : i32
    %scan3A_43 = arith.constant 125 : i32
    %scan3A_44 = arith.addi %scan3A_42, %scan3A_43 : i32
    %scan3A_45 = arith.constant 1 : i32
    scf.for %scan3A_52 = %scan3A_42 to %scan3A_44 step %scan3A_45  : i32 {
      %mul3A_53 = arith.constant 80 : i32
      %mul3A_54 = arith.muli %scan3A_52, %mul3A_53 : i32
      %add3A_55 = arith.addi %mul3A_40, %mul3A_54 : i32
      "tpu.region"() ({
        %run_scoped3A = tpu.sem_alloc : memref<!tpu.dma_semaphore, #tpu.memory_space<semaphore_mem>>
        %dma_start3A_63 = tpu.memref_slice %arg3[%add3A_55] : memref<320000xi32, #tpu.memory_space<hbm>> -> memref<80xi32, #tpu.memory_space<hbm>>
        %dma_start3A_64 = tpu.memref_slice %arg3[%add3A_55] : memref<320000xi32, #tpu.memory_space<hbm>> -> memref<80xi32, #tpu.memory_space<hbm>>
        tpu.enqueue_dma source(%dma_start3A_64 : memref<80xi32, #tpu.memory_space<hbm>>) target(%arg6 : memref<80xi32, #tpu.memory_space<vmem>>) target_semaphore(%run_scoped3A : memref<!tpu.dma_semaphore, #tpu.memory_space<semaphore_mem>>)
        %dma_wait3A_65 = tpu.memref_slice %arg3[%add3A_55] : memref<320000xi32, #tpu.memory_space<hbm>> -> memref<80xi32, #tpu.memory_space<hbm>>
        %dma_wait3A_66 = tpu.memref_slice %arg3[%add3A_55] : memref<320000xi32, #tpu.memory_space<hbm>> -> memref<80xi32, #tpu.memory_space<hbm>>
        tpu.wait_dma2 semaphore(%run_scoped3A : memref<!tpu.dma_semaphore, #tpu.memory_space<semaphore_mem>>) src(%dma_wait3A_66 : memref<80xi32, #tpu.memory_space<hbm>>) dst(%arg6 : memref<80xi32, #tpu.memory_space<vmem>>)
        tpu.yield
      }) : () -> ()
      %mul3A_56 = arith.constant 80 : i32
      %mul3A_57 = arith.muli %scan3A_52, %mul3A_56 : i32
      %add3A_58 = arith.addi %mul3A_40, %mul3A_57 : i32
      "tpu.region"() ({
        %run_scoped3A = tpu.sem_alloc : memref<!tpu.dma_semaphore, #tpu.memory_space<semaphore_mem>>
        %dma_start3A_63 = tpu.memref_slice %arg4[%add3A_58] : memref<320000xi32, #tpu.memory_space<hbm>> -> memref<80xi32, #tpu.memory_space<hbm>>
        %dma_start3A_64 = tpu.memref_slice %arg4[%add3A_58] : memref<320000xi32, #tpu.memory_space<hbm>> -> memref<80xi32, #tpu.memory_space<hbm>>
        tpu.enqueue_dma source(%dma_start3A_64 : memref<80xi32, #tpu.memory_space<hbm>>) target(%arg7 : memref<80xi32, #tpu.memory_space<vmem>>) target_semaphore(%run_scoped3A : memref<!tpu.dma_semaphore, #tpu.memory_space<semaphore_mem>>)
        %dma_wait3A_65 = tpu.memref_slice %arg4[%add3A_58] : memref<320000xi32, #tpu.memory_space<hbm>> -> memref<80xi32, #tpu.memory_space<hbm>>
        %dma_wait3A_66 = tpu.memref_slice %arg4[%add3A_58] : memref<320000xi32, #tpu.memory_space<hbm>> -> memref<80xi32, #tpu.memory_space<hbm>>
        tpu.wait_dma2 semaphore(%run_scoped3A : memref<!tpu.dma_semaphore, #tpu.memory_space<semaphore_mem>>) src(%dma_wait3A_66 : memref<80xi32, #tpu.memory_space<hbm>>) dst(%arg7 : memref<80xi32, #tpu.memory_space<vmem>>)
        tpu.yield
      }) : () -> ()
      %dma_start3A = arith.constant 0 : i32
      %dma_start3A_59 = arith.constant 0 : i32
      %dma_start3A_60 = tpu.memref_slice %arg2[%dma_start3A, %dma_start3A_59] : memref<10240x128xf32, #tpu.memory_space<hbm>> -> memref<10240x128xf32, #tpu.memory_space<hbm>>
      tpu.enqueue_indirect_dma source(%dma_start3A_60 : memref<10240x128xf32, #tpu.memory_space<hbm>>) target(%arg8 : memref<80x128xf32, #tpu.memory_space<vmem>>) offsets(%arg6 : memref<80xi32, #tpu.memory_space<vmem>>) semaphore(%arg11 : memref<!tpu.dma_semaphore, #tpu.memory_space<semaphore_mem>>)
      %dma_wait3A = arith.constant 0 : i32
      %dma_wait3A_61 = arith.constant 0 : i32
      %dma_wait3A_62 = tpu.memref_slice %arg2[%dma_wait3A, %dma_wait3A_61] : memref<10240x128xf32, #tpu.memory_space<hbm>> -> memref<10240x128xf32, #tpu.memory_space<hbm>>
      tpu.wait_indirect_dma semaphore(%arg11 : memref<!tpu.dma_semaphore, #tpu.memory_space<semaphore_mem>>) src(%dma_wait3A_62 : memref<10240x128xf32, #tpu.memory_space<hbm>>) dst(%arg8 : memref<80x128xf32, #tpu.memory_space<vmem>>)
      "tpu.region"() ({
        %run_scoped3A = tpu.sem_alloc : memref<!tpu.dma_semaphore, #tpu.memory_space<semaphore_mem>>
        %dma_start3A_63 = arith.constant 0 : i32
        %dma_start3A_64 = arith.constant 0 : i32
        %dma_start3A_65 = tpu.memref_slice %arg10[%dma_start3A_63, %dma_start3A_64] : memref<10240x128xf32, #tpu.memory_space<vmem_shared>> -> memref<10240x128xf32, #tpu.memory_space<vmem_shared>>
        tpu.enqueue_indirect_dma source(%arg8 : memref<80x128xf32, #tpu.memory_space<vmem>>) target(%dma_start3A_65 : memref<10240x128xf32, #tpu.memory_space<vmem_shared>>) offsets(%arg7 : memref<80xi32, #tpu.memory_space<vmem>>) semaphore(%run_scoped3A : memref<!tpu.dma_semaphore, #tpu.memory_space<semaphore_mem>>) {add = true}
        %dma_wait3A_66 = arith.constant 0 : i32
        %dma_wait3A_67 = arith.constant 0 : i32
        %dma_wait3A_68 = tpu.memref_slice %arg10[%dma_wait3A_66, %dma_wait3A_67] : memref<10240x128xf32, #tpu.memory_space<vmem_shared>> -> memref<10240x128xf32, #tpu.memory_space<vmem_shared>>
        tpu.wait_indirect_dma semaphore(%run_scoped3A : memref<!tpu.dma_semaphore, #tpu.memory_space<semaphore_mem>>) src(%arg8 : memref<80x128xf32, #tpu.memory_space<vmem>>) dst(%dma_wait3A_68 : memref<10240x128xf32, #tpu.memory_space<vmem_shared>>)
        tpu.yield
      }) : () -> ()
    }
    %scan3A_46 = arith.constant 125 : i32
    %barrier3A_47 = arith.constant 0 : index
    tpu.barrier barrier_id(%barrier3A_47)
    %mul3A_48 = arith.constant 640 : i32
    %mul3A_49 = arith.muli %arg1, %mul3A_48 : i32
    %mul3A_50 = arith.constant 640 : i32
    %mul3A_51 = arith.muli %arg1, %mul3A_50 : i32
    "tpu.region"() ({
      %run_scoped3A = tpu.sem_alloc : memref<!tpu.dma_semaphore, #tpu.memory_space<semaphore_mem>>
      %dma_start3A = arith.constant 0 : i32
      %dma_start3A_52 = arith.constant 0 : i32
      %dma_start3A_53 = tpu.memref_slice %arg5[%arg0, %dma_start3A, %dma_start3A_52] : memref<2x10240x128xf32, #tpu.memory_space<hbm>> -> memref<1x10240x128xf32, #tpu.memory_space<hbm>>
      %dma_start3A_54 = tpu.memref_squeeze %dma_start3A_53 : memref<1x10240x128xf32, #tpu.memory_space<hbm>> -> memref<10240x128xf32, #tpu.memory_space<hbm>>
      %dma_start3A_55 = arith.constant 0 : i32
      %dma_start3A_56 = tpu.memref_slice %dma_start3A_54[%mul3A_51, %dma_start3A_55] : memref<10240x128xf32, #tpu.memory_space<hbm>> -> memref<640x128xf32, #tpu.memory_space<hbm>>
      %dma_start3A_57 = arith.constant 0 : i32
      %dma_start3A_58 = tpu.memref_slice %arg10[%mul3A_49, %dma_start3A_57] : memref<10240x128xf32, #tpu.memory_space<vmem_shared>> -> memref<640x128xf32, #tpu.memory_space<vmem_shared>>
      tpu.enqueue_dma source(%dma_start3A_58 : memref<640x128xf32, #tpu.memory_space<vmem_shared>>) target(%dma_start3A_56 : memref<640x128xf32, #tpu.memory_space<hbm>>) target_semaphore(%run_scoped3A : memref<!tpu.dma_semaphore, #tpu.memory_space<semaphore_mem>>)
      %dma_wait3A = arith.constant 0 : i32
      %dma_wait3A_59 = arith.constant 0 : i32
      %dma_wait3A_60 = tpu.memref_slice %arg5[%arg0, %dma_wait3A, %dma_wait3A_59] : memref<2x10240x128xf32, #tpu.memory_space<hbm>> -> memref<1x10240x128xf32, #tpu.memory_space<hbm>>
      %dma_wait3A_61 = tpu.memref_squeeze %dma_wait3A_60 : memref<1x10240x128xf32, #tpu.memory_space<hbm>> -> memref<10240x128xf32, #tpu.memory_space<hbm>>
      %dma_wait3A_62 = arith.constant 0 : i32
      %dma_wait3A_63 = tpu.memref_slice %dma_wait3A_61[%mul3A_51, %dma_wait3A_62] : memref<10240x128xf32, #tpu.memory_space<hbm>> -> memref<640x128xf32, #tpu.memory_space<hbm>>
      %dma_wait3A_64 = arith.constant 0 : i32
      %dma_wait3A_65 = tpu.memref_slice %arg10[%mul3A_49, %dma_wait3A_64] : memref<10240x128xf32, #tpu.memory_space<vmem_shared>> -> memref<640x128xf32, #tpu.memory_space<vmem_shared>>
      tpu.wait_dma2 semaphore(%run_scoped3A : memref<!tpu.dma_semaphore, #tpu.memory_space<semaphore_mem>>) src(%dma_wait3A_65 : memref<640x128xf32, #tpu.memory_space<vmem_shared>>) dst(%dma_wait3A_63 : memref<640x128xf32, #tpu.memory_space<hbm>>)
      tpu.yield
    }) : () -> ()
    return
  }
}

#map = affine_map<(d0, d1) -> (0)>
#map1 = affine_map<(d0, d1) -> (0, 0, 0)>
module attributes {stable_mosaic.version = 14 : i64} {
  func.func @_deg_kernel(%arg0: i32, %arg1: i32, %arg2: memref<320000xi32, #tpu.memory_space<hbm>>, %arg3: memref<2x10240x128xf32, #tpu.memory_space<hbm>>, %arg4: memref<80xi32, #tpu.memory_space<vmem>>, %arg5: memref<80x128xf32, #tpu.memory_space<vmem>>, %arg6: memref<10240x128xf32, #tpu.memory_space<vmem_shared>>) attributes {dimension_semantics = [#tpu.dimension_semantics<core_parallel>, #tpu.dimension_semantics<subcore_parallel>], iteration_bounds = array<i64: 2, 16>, scalar_prefetch = 0 : i64, scratch_operands = 3 : i64, tpu.core_type = #tpu.core_type<sc_vector_subcore>, window_params = [{transform_indices = #map}, {transform_indices = #map1}]} {
    %mul3A = arith.constant 16 : i32
    %mul3A_0 = arith.muli %arg0, %mul3A : i32
    %add3A = arith.addi %mul3A_0, %arg1 : i32
    %broadcast_in_dim3A = arith.constant 0.000000e+00 : f32
    %broadcast_in_dim3A_1 = vector.broadcast %broadcast_in_dim3A : f32 to vector<16xf32>
    %scan3A = arith.constant 0 : i32
    %scan3A_2 = arith.constant 0 : i32
    %scan3A_3 = arith.constant 80 : i32
    %scan3A_4 = arith.addi %scan3A_2, %scan3A_3 : i32
    %scan3A_5 = arith.constant 1 : i32
    scf.for %scan3A_60 = %scan3A_2 to %scan3A_4 step %scan3A_5  : i32 {
      %swap3A = arith.index_cast %scan3A_60 : i32 to index
      %swap3A_61 = arith.constant 0 : index
      %swap3A_62 = tpu.vector_load %arg5[%swap3A, %swap3A_61] {strides = array<i32>} : memref<80x128xf32, #tpu.memory_space<vmem>>, vector<1x16xf32>,
      %swap3A_63 = vector.shape_cast %swap3A_62 : vector<1x16xf32> to vector<16xf32>
      %swap3A_64 = vector.shape_cast %broadcast_in_dim3A_1 : vector<16xf32> to vector<1x16xf32>
      tpu.vector_store %arg5[%swap3A, %swap3A_61], %swap3A_64 {strides = array<i32>} : memref<80x128xf32, #tpu.memory_space<vmem>>, vector<1x16xf32>,
      %swap3A_65 = arith.index_cast %scan3A_60 : i32 to index
      %swap3A_66 = arith.constant 16 : index
      %swap3A_67 = tpu.vector_load %arg5[%swap3A_65, %swap3A_66] {strides = array<i32>} : memref<80x128xf32, #tpu.memory_space<vmem>>, vector<1x16xf32>,
      %swap3A_68 = vector.shape_cast %swap3A_67 : vector<1x16xf32> to vector<16xf32>
      %swap3A_69 = vector.shape_cast %broadcast_in_dim3A_1 : vector<16xf32> to vector<1x16xf32>
      tpu.vector_store %arg5[%swap3A_65, %swap3A_66], %swap3A_69 {strides = array<i32>} : memref<80x128xf32, #tpu.memory_space<vmem>>, vector<1x16xf32>,
      %swap3A_70 = arith.index_cast %scan3A_60 : i32 to index
      %swap3A_71 = arith.constant 32 : index
      %swap3A_72 = tpu.vector_load %arg5[%swap3A_70, %swap3A_71] {strides = array<i32>} : memref<80x128xf32, #tpu.memory_space<vmem>>, vector<1x16xf32>,
      %swap3A_73 = vector.shape_cast %swap3A_72 : vector<1x16xf32> to vector<16xf32>
      %swap3A_74 = vector.shape_cast %broadcast_in_dim3A_1 : vector<16xf32> to vector<1x16xf32>
      tpu.vector_store %arg5[%swap3A_70, %swap3A_71], %swap3A_74 {strides = array<i32>} : memref<80x128xf32, #tpu.memory_space<vmem>>, vector<1x16xf32>,
      %swap3A_75 = arith.index_cast %scan3A_60 : i32 to index
      %swap3A_76 = arith.constant 48 : index
      %swap3A_77 = tpu.vector_load %arg5[%swap3A_75, %swap3A_76] {strides = array<i32>} : memref<80x128xf32, #tpu.memory_space<vmem>>, vector<1x16xf32>,
      %swap3A_78 = vector.shape_cast %swap3A_77 : vector<1x16xf32> to vector<16xf32>
      %swap3A_79 = vector.shape_cast %broadcast_in_dim3A_1 : vector<16xf32> to vector<1x16xf32>
      tpu.vector_store %arg5[%swap3A_75, %swap3A_76], %swap3A_79 {strides = array<i32>} : memref<80x128xf32, #tpu.memory_space<vmem>>, vector<1x16xf32>,
      %swap3A_80 = arith.index_cast %scan3A_60 : i32 to index
      %swap3A_81 = arith.constant 64 : index
      %swap3A_82 = tpu.vector_load %arg5[%swap3A_80, %swap3A_81] {strides = array<i32>} : memref<80x128xf32, #tpu.memory_space<vmem>>, vector<1x16xf32>,
      %swap3A_83 = vector.shape_cast %swap3A_82 : vector<1x16xf32> to vector<16xf32>
      %swap3A_84 = vector.shape_cast %broadcast_in_dim3A_1 : vector<16xf32> to vector<1x16xf32>
      tpu.vector_store %arg5[%swap3A_80, %swap3A_81], %swap3A_84 {strides = array<i32>} : memref<80x128xf32, #tpu.memory_space<vmem>>, vector<1x16xf32>,
      %swap3A_85 = arith.index_cast %scan3A_60 : i32 to index
      %swap3A_86 = arith.constant 80 : index
      %swap3A_87 = tpu.vector_load %arg5[%swap3A_85, %swap3A_86] {strides = array<i32>} : memref<80x128xf32, #tpu.memory_space<vmem>>, vector<1x16xf32>,
      %swap3A_88 = vector.shape_cast %swap3A_87 : vector<1x16xf32> to vector<16xf32>
      %swap3A_89 = vector.shape_cast %broadcast_in_dim3A_1 : vector<16xf32> to vector<1x16xf32>
      tpu.vector_store %arg5[%swap3A_85, %swap3A_86], %swap3A_89 {strides = array<i32>} : memref<80x128xf32, #tpu.memory_space<vmem>>, vector<1x16xf32>,
      %swap3A_90 = arith.index_cast %scan3A_60 : i32 to index
      %swap3A_91 = arith.constant 96 : index
      %swap3A_92 = tpu.vector_load %arg5[%swap3A_90, %swap3A_91] {strides = array<i32>} : memref<80x128xf32, #tpu.memory_space<vmem>>, vector<1x16xf32>,
      %swap3A_93 = vector.shape_cast %swap3A_92 : vector<1x16xf32> to vector<16xf32>
      %swap3A_94 = vector.shape_cast %broadcast_in_dim3A_1 : vector<16xf32> to vector<1x16xf32>
      tpu.vector_store %arg5[%swap3A_90, %swap3A_91], %swap3A_94 {strides = array<i32>} : memref<80x128xf32, #tpu.memory_space<vmem>>, vector<1x16xf32>,
      %swap3A_95 = arith.index_cast %scan3A_60 : i32 to index
      %swap3A_96 = arith.constant 112 : index
      %swap3A_97 = tpu.vector_load %arg5[%swap3A_95, %swap3A_96] {strides = array<i32>} : memref<80x128xf32, #tpu.memory_space<vmem>>, vector<1x16xf32>,
      %swap3A_98 = vector.shape_cast %swap3A_97 : vector<1x16xf32> to vector<16xf32>
      %swap3A_99 = vector.shape_cast %broadcast_in_dim3A_1 : vector<16xf32> to vector<1x16xf32>
      tpu.vector_store %arg5[%swap3A_95, %swap3A_96], %swap3A_99 {strides = array<i32>} : memref<80x128xf32, #tpu.memory_space<vmem>>, vector<1x16xf32>,
    }
    %scan3A_6 = arith.constant 80 : i32
    %mul3A_7 = arith.constant 640 : i32
    %mul3A_8 = arith.muli %arg1, %mul3A_7 : i32
    %add3A_9 = arith.constant 0 : i32
    %add3A_10 = arith.addi %mul3A_8, %add3A_9 : i32
    "tpu.region"() ({
      %run_scoped3A = tpu.sem_alloc : memref<!tpu.dma_semaphore, #tpu.memory_space<semaphore_mem>>
      %dma_start3A = arith.constant 0 : i32
      %dma_start3A_60 = tpu.memref_slice %arg6[%add3A_10, %dma_start3A] : memref<10240x128xf32, #tpu.memory_space<vmem_shared>> -> memref<80x128xf32, #tpu.memory_space<vmem_shared>>
      %dma_start3A_61 = arith.constant 0 : i32
      %dma_start3A_62 = tpu.memref_slice %arg6[%add3A_10, %dma_start3A_61] : memref<10240x128xf32, #tpu.memory_space<vmem_shared>> -> memref<80x128xf32, #tpu.memory_space<vmem_shared>>
      tpu.enqueue_dma source(%arg5 : memref<80x128xf32, #tpu.memory_space<vmem>>) target(%dma_start3A_62 : memref<80x128xf32, #tpu.memory_space<vmem_shared>>) target_semaphore(%run_scoped3A : memref<!tpu.dma_semaphore, #tpu.memory_space<semaphore_mem>>)
      %dma_wait3A = arith.constant 0 : i32
      %dma_wait3A_63 = tpu.memref_slice %arg6[%add3A_10, %dma_wait3A] : memref<10240x128xf32, #tpu.memory_space<vmem_shared>> -> memref<80x128xf32, #tpu.memory_space<vmem_shared>>
      %dma_wait3A_64 = arith.constant 0 : i32
      %dma_wait3A_65 = tpu.memref_slice %arg6[%add3A_10, %dma_wait3A_64] : memref<10240x128xf32, #tpu.memory_space<vmem_shared>> -> memref<80x128xf32, #tpu.memory_space<vmem_shared>>
      tpu.wait_dma2 semaphore(%run_scoped3A : memref<!tpu.dma_semaphore, #tpu.memory_space<semaphore_mem>>) src(%arg5 : memref<80x128xf32, #tpu.memory_space<vmem>>) dst(%dma_wait3A_65 : memref<80x128xf32, #tpu.memory_space<vmem_shared>>)
      tpu.yield
    }) : () -> ()
    %mul3A_11 = arith.constant 640 : i32
    %mul3A_12 = arith.muli %arg1, %mul3A_11 : i32
    %add3A_13 = arith.constant 80 : i32
    %add3A_14 = arith.addi %mul3A_12, %add3A_13 : i32
    "tpu.region"() ({
      %run_scoped3A = tpu.sem_alloc : memref<!tpu.dma_semaphore, #tpu.memory_space<semaphore_mem>>
      %dma_start3A = arith.constant 0 : i32
      %dma_start3A_60 = tpu.memref_slice %arg6[%add3A_14, %dma_start3A] : memref<10240x128xf32, #tpu.memory_space<vmem_shared>> -> memref<80x128xf32, #tpu.memory_space<vmem_shared>>
      %dma_start3A_61 = arith.constant 0 : i32
      %dma_start3A_62 = tpu.memref_slice %arg6[%add3A_14, %dma_start3A_61] : memref<10240x128xf32, #tpu.memory_space<vmem_shared>> -> memref<80x128xf32, #tpu.memory_space<vmem_shared>>
      tpu.enqueue_dma source(%arg5 : memref<80x128xf32, #tpu.memory_space<vmem>>) target(%dma_start3A_62 : memref<80x128xf32, #tpu.memory_space<vmem_shared>>) target_semaphore(%run_scoped3A : memref<!tpu.dma_semaphore, #tpu.memory_space<semaphore_mem>>)
      %dma_wait3A = arith.constant 0 : i32
      %dma_wait3A_63 = tpu.memref_slice %arg6[%add3A_14, %dma_wait3A] : memref<10240x128xf32, #tpu.memory_space<vmem_shared>> -> memref<80x128xf32, #tpu.memory_space<vmem_shared>>
      %dma_wait3A_64 = arith.constant 0 : i32
      %dma_wait3A_65 = tpu.memref_slice %arg6[%add3A_14, %dma_wait3A_64] : memref<10240x128xf32, #tpu.memory_space<vmem_shared>> -> memref<80x128xf32, #tpu.memory_space<vmem_shared>>
      tpu.wait_dma2 semaphore(%run_scoped3A : memref<!tpu.dma_semaphore, #tpu.memory_space<semaphore_mem>>) src(%arg5 : memref<80x128xf32, #tpu.memory_space<vmem>>) dst(%dma_wait3A_65 : memref<80x128xf32, #tpu.memory_space<vmem_shared>>)
      tpu.yield
    }) : () -> ()
    %mul3A_15 = arith.constant 640 : i32
    %mul3A_16 = arith.muli %arg1, %mul3A_15 : i32
    %add3A_17 = arith.constant 160 : i32
    %add3A_18 = arith.addi %mul3A_16, %add3A_17 : i32
    "tpu.region"() ({
      %run_scoped3A = tpu.sem_alloc : memref<!tpu.dma_semaphore, #tpu.memory_space<semaphore_mem>>
      %dma_start3A = arith.constant 0 : i32
      %dma_start3A_60 = tpu.memref_slice %arg6[%add3A_18, %dma_start3A] : memref<10240x128xf32, #tpu.memory_space<vmem_shared>> -> memref<80x128xf32, #tpu.memory_space<vmem_shared>>
      %dma_start3A_61 = arith.constant 0 : i32
      %dma_start3A_62 = tpu.memref_slice %arg6[%add3A_18, %dma_start3A_61] : memref<10240x128xf32, #tpu.memory_space<vmem_shared>> -> memref<80x128xf32, #tpu.memory_space<vmem_shared>>
      tpu.enqueue_dma source(%arg5 : memref<80x128xf32, #tpu.memory_space<vmem>>) target(%dma_start3A_62 : memref<80x128xf32, #tpu.memory_space<vmem_shared>>) target_semaphore(%run_scoped3A : memref<!tpu.dma_semaphore, #tpu.memory_space<semaphore_mem>>)
      %dma_wait3A = arith.constant 0 : i32
      %dma_wait3A_63 = tpu.memref_slice %arg6[%add3A_18, %dma_wait3A] : memref<10240x128xf32, #tpu.memory_space<vmem_shared>> -> memref<80x128xf32, #tpu.memory_space<vmem_shared>>
      %dma_wait3A_64 = arith.constant 0 : i32
      %dma_wait3A_65 = tpu.memref_slice %arg6[%add3A_18, %dma_wait3A_64] : memref<10240x128xf32, #tpu.memory_space<vmem_shared>> -> memref<80x128xf32, #tpu.memory_space<vmem_shared>>
      tpu.wait_dma2 semaphore(%run_scoped3A : memref<!tpu.dma_semaphore, #tpu.memory_space<semaphore_mem>>) src(%arg5 : memref<80x128xf32, #tpu.memory_space<vmem>>) dst(%dma_wait3A_65 : memref<80x128xf32, #tpu.memory_space<vmem_shared>>)
      tpu.yield
    }) : () -> ()
    %mul3A_19 = arith.constant 640 : i32
    %mul3A_20 = arith.muli %arg1, %mul3A_19 : i32
    %add3A_21 = arith.constant 240 : i32
    %add3A_22 = arith.addi %mul3A_20, %add3A_21 : i32
    "tpu.region"() ({
      %run_scoped3A = tpu.sem_alloc : memref<!tpu.dma_semaphore, #tpu.memory_space<semaphore_mem>>
      %dma_start3A = arith.constant 0 : i32
      %dma_start3A_60 = tpu.memref_slice %arg6[%add3A_22, %dma_start3A] : memref<10240x128xf32, #tpu.memory_space<vmem_shared>> -> memref<80x128xf32, #tpu.memory_space<vmem_shared>>
      %dma_start3A_61 = arith.constant 0 : i32
      %dma_start3A_62 = tpu.memref_slice %arg6[%add3A_22, %dma_start3A_61] : memref<10240x128xf32, #tpu.memory_space<vmem_shared>> -> memref<80x128xf32, #tpu.memory_space<vmem_shared>>
      tpu.enqueue_dma source(%arg5 : memref<80x128xf32, #tpu.memory_space<vmem>>) target(%dma_start3A_62 : memref<80x128xf32, #tpu.memory_space<vmem_shared>>) target_semaphore(%run_scoped3A : memref<!tpu.dma_semaphore, #tpu.memory_space<semaphore_mem>>)
      %dma_wait3A = arith.constant 0 : i32
      %dma_wait3A_63 = tpu.memref_slice %arg6[%add3A_22, %dma_wait3A] : memref<10240x128xf32, #tpu.memory_space<vmem_shared>> -> memref<80x128xf32, #tpu.memory_space<vmem_shared>>
      %dma_wait3A_64 = arith.constant 0 : i32
      %dma_wait3A_65 = tpu.memref_slice %arg6[%add3A_22, %dma_wait3A_64] : memref<10240x128xf32, #tpu.memory_space<vmem_shared>> -> memref<80x128xf32, #tpu.memory_space<vmem_shared>>
      tpu.wait_dma2 semaphore(%run_scoped3A : memref<!tpu.dma_semaphore, #tpu.memory_space<semaphore_mem>>) src(%arg5 : memref<80x128xf32, #tpu.memory_space<vmem>>) dst(%dma_wait3A_65 : memref<80x128xf32, #tpu.memory_space<vmem_shared>>)
      tpu.yield
    }) : () -> ()
    %mul3A_23 = arith.constant 640 : i32
    %mul3A_24 = arith.muli %arg1, %mul3A_23 : i32
    %add3A_25 = arith.constant 320 : i32
    %add3A_26 = arith.addi %mul3A_24, %add3A_25 : i32
    "tpu.region"() ({
      %run_scoped3A = tpu.sem_alloc : memref<!tpu.dma_semaphore, #tpu.memory_space<semaphore_mem>>
      %dma_start3A = arith.constant 0 : i32
      %dma_start3A_60 = tpu.memref_slice %arg6[%add3A_26, %dma_start3A] : memref<10240x128xf32, #tpu.memory_space<vmem_shared>> -> memref<80x128xf32, #tpu.memory_space<vmem_shared>>
      %dma_start3A_61 = arith.constant 0 : i32
      %dma_start3A_62 = tpu.memref_slice %arg6[%add3A_26, %dma_start3A_61] : memref<10240x128xf32, #tpu.memory_space<vmem_shared>> -> memref<80x128xf32, #tpu.memory_space<vmem_shared>>
      tpu.enqueue_dma source(%arg5 : memref<80x128xf32, #tpu.memory_space<vmem>>) target(%dma_start3A_62 : memref<80x128xf32, #tpu.memory_space<vmem_shared>>) target_semaphore(%run_scoped3A : memref<!tpu.dma_semaphore, #tpu.memory_space<semaphore_mem>>)
      %dma_wait3A = arith.constant 0 : i32
      %dma_wait3A_63 = tpu.memref_slice %arg6[%add3A_26, %dma_wait3A] : memref<10240x128xf32, #tpu.memory_space<vmem_shared>> -> memref<80x128xf32, #tpu.memory_space<vmem_shared>>
      %dma_wait3A_64 = arith.constant 0 : i32
      %dma_wait3A_65 = tpu.memref_slice %arg6[%add3A_26, %dma_wait3A_64] : memref<10240x128xf32, #tpu.memory_space<vmem_shared>> -> memref<80x128xf32, #tpu.memory_space<vmem_shared>>
      tpu.wait_dma2 semaphore(%run_scoped3A : memref<!tpu.dma_semaphore, #tpu.memory_space<semaphore_mem>>) src(%arg5 : memref<80x128xf32, #tpu.memory_space<vmem>>) dst(%dma_wait3A_65 : memref<80x128xf32, #tpu.memory_space<vmem_shared>>)
      tpu.yield
    }) : () -> ()
    %mul3A_27 = arith.constant 640 : i32
    %mul3A_28 = arith.muli %arg1, %mul3A_27 : i32
    %add3A_29 = arith.constant 400 : i32
    %add3A_30 = arith.addi %mul3A_28, %add3A_29 : i32
    "tpu.region"() ({
      %run_scoped3A = tpu.sem_alloc : memref<!tpu.dma_semaphore, #tpu.memory_space<semaphore_mem>>
      %dma_start3A = arith.constant 0 : i32
      %dma_start3A_60 = tpu.memref_slice %arg6[%add3A_30, %dma_start3A] : memref<10240x128xf32, #tpu.memory_space<vmem_shared>> -> memref<80x128xf32, #tpu.memory_space<vmem_shared>>
      %dma_start3A_61 = arith.constant 0 : i32
      %dma_start3A_62 = tpu.memref_slice %arg6[%add3A_30, %dma_start3A_61] : memref<10240x128xf32, #tpu.memory_space<vmem_shared>> -> memref<80x128xf32, #tpu.memory_space<vmem_shared>>
      tpu.enqueue_dma source(%arg5 : memref<80x128xf32, #tpu.memory_space<vmem>>) target(%dma_start3A_62 : memref<80x128xf32, #tpu.memory_space<vmem_shared>>) target_semaphore(%run_scoped3A : memref<!tpu.dma_semaphore, #tpu.memory_space<semaphore_mem>>)
      %dma_wait3A = arith.constant 0 : i32
      %dma_wait3A_63 = tpu.memref_slice %arg6[%add3A_30, %dma_wait3A] : memref<10240x128xf32, #tpu.memory_space<vmem_shared>> -> memref<80x128xf32, #tpu.memory_space<vmem_shared>>
      %dma_wait3A_64 = arith.constant 0 : i32
      %dma_wait3A_65 = tpu.memref_slice %arg6[%add3A_30, %dma_wait3A_64] : memref<10240x128xf32, #tpu.memory_space<vmem_shared>> -> memref<80x128xf32, #tpu.memory_space<vmem_shared>>
      tpu.wait_dma2 semaphore(%run_scoped3A : memref<!tpu.dma_semaphore, #tpu.memory_space<semaphore_mem>>) src(%arg5 : memref<80x128xf32, #tpu.memory_space<vmem>>) dst(%dma_wait3A_65 : memref<80x128xf32, #tpu.memory_space<vmem_shared>>)
      tpu.yield
    }) : () -> ()
    %mul3A_31 = arith.constant 640 : i32
    %mul3A_32 = arith.muli %arg1, %mul3A_31 : i32
    %add3A_33 = arith.constant 480 : i32
    %add3A_34 = arith.addi %mul3A_32, %add3A_33 : i32
    "tpu.region"() ({
      %run_scoped3A = tpu.sem_alloc : memref<!tpu.dma_semaphore, #tpu.memory_space<semaphore_mem>>
      %dma_start3A = arith.constant 0 : i32
      %dma_start3A_60 = tpu.memref_slice %arg6[%add3A_34, %dma_start3A] : memref<10240x128xf32, #tpu.memory_space<vmem_shared>> -> memref<80x128xf32, #tpu.memory_space<vmem_shared>>
      %dma_start3A_61 = arith.constant 0 : i32
      %dma_start3A_62 = tpu.memref_slice %arg6[%add3A_34, %dma_start3A_61] : memref<10240x128xf32, #tpu.memory_space<vmem_shared>> -> memref<80x128xf32, #tpu.memory_space<vmem_shared>>
      tpu.enqueue_dma source(%arg5 : memref<80x128xf32, #tpu.memory_space<vmem>>) target(%dma_start3A_62 : memref<80x128xf32, #tpu.memory_space<vmem_shared>>) target_semaphore(%run_scoped3A : memref<!tpu.dma_semaphore, #tpu.memory_space<semaphore_mem>>)
      %dma_wait3A = arith.constant 0 : i32
      %dma_wait3A_63 = tpu.memref_slice %arg6[%add3A_34, %dma_wait3A] : memref<10240x128xf32, #tpu.memory_space<vmem_shared>> -> memref<80x128xf32, #tpu.memory_space<vmem_shared>>
      %dma_wait3A_64 = arith.constant 0 : i32
      %dma_wait3A_65 = tpu.memref_slice %arg6[%add3A_34, %dma_wait3A_64] : memref<10240x128xf32, #tpu.memory_space<vmem_shared>> -> memref<80x128xf32, #tpu.memory_space<vmem_shared>>
      tpu.wait_dma2 semaphore(%run_scoped3A : memref<!tpu.dma_semaphore, #tpu.memory_space<semaphore_mem>>) src(%arg5 : memref<80x128xf32, #tpu.memory_space<vmem>>) dst(%dma_wait3A_65 : memref<80x128xf32, #tpu.memory_space<vmem_shared>>)
      tpu.yield
    }) : () -> ()
    %mul3A_35 = arith.constant 640 : i32
    %mul3A_36 = arith.muli %arg1, %mul3A_35 : i32
    %add3A_37 = arith.constant 560 : i32
    %add3A_38 = arith.addi %mul3A_36, %add3A_37 : i32
    "tpu.region"() ({
      %run_scoped3A = tpu.sem_alloc : memref<!tpu.dma_semaphore, #tpu.memory_space<semaphore_mem>>
      %dma_start3A = arith.constant 0 : i32
      %dma_start3A_60 = tpu.memref_slice %arg6[%add3A_38, %dma_start3A] : memref<10240x128xf32, #tpu.memory_space<vmem_shared>> -> memref<80x128xf32, #tpu.memory_space<vmem_shared>>
      %dma_start3A_61 = arith.constant 0 : i32
      %dma_start3A_62 = tpu.memref_slice %arg6[%add3A_38, %dma_start3A_61] : memref<10240x128xf32, #tpu.memory_space<vmem_shared>> -> memref<80x128xf32, #tpu.memory_space<vmem_shared>>
      tpu.enqueue_dma source(%arg5 : memref<80x128xf32, #tpu.memory_space<vmem>>) target(%dma_start3A_62 : memref<80x128xf32, #tpu.memory_space<vmem_shared>>) target_semaphore(%run_scoped3A : memref<!tpu.dma_semaphore, #tpu.memory_space<semaphore_mem>>)
      %dma_wait3A = arith.constant 0 : i32
      %dma_wait3A_63 = tpu.memref_slice %arg6[%add3A_38, %dma_wait3A] : memref<10240x128xf32, #tpu.memory_space<vmem_shared>> -> memref<80x128xf32, #tpu.memory_space<vmem_shared>>
      %dma_wait3A_64 = arith.constant 0 : i32
      %dma_wait3A_65 = tpu.memref_slice %arg6[%add3A_38, %dma_wait3A_64] : memref<10240x128xf32, #tpu.memory_space<vmem_shared>> -> memref<80x128xf32, #tpu.memory_space<vmem_shared>>
      tpu.wait_dma2 semaphore(%run_scoped3A : memref<!tpu.dma_semaphore, #tpu.memory_space<semaphore_mem>>) src(%arg5 : memref<80x128xf32, #tpu.memory_space<vmem>>) dst(%dma_wait3A_65 : memref<80x128xf32, #tpu.memory_space<vmem_shared>>)
      tpu.yield
    }) : () -> ()
    %broadcast_in_dim3A_39 = arith.constant 1.000000e+00 : f32
    %broadcast_in_dim3A_40 = vector.broadcast %broadcast_in_dim3A_39 : f32 to vector<16xf32>
    %scan3A_41 = arith.constant 0 : i32
    %scan3A_42 = arith.constant 0 : i32
    %scan3A_43 = arith.constant 80 : i32
    %scan3A_44 = arith.addi %scan3A_42, %scan3A_43 : i32
    %scan3A_45 = arith.constant 1 : i32
    scf.for %scan3A_60 = %scan3A_42 to %scan3A_44 step %scan3A_45  : i32 {
      %swap3A = arith.index_cast %scan3A_60 : i32 to index
      %swap3A_61 = arith.constant 0 : index
      %swap3A_62 = tpu.vector_load %arg5[%swap3A, %swap3A_61] {strides = array<i32>} : memref<80x128xf32, #tpu.memory_space<vmem>>, vector<1x16xf32>,
      %swap3A_63 = vector.shape_cast %swap3A_62 : vector<1x16xf32> to vector<16xf32>
      %swap3A_64 = vector.shape_cast %broadcast_in_dim3A_40 : vector<16xf32> to vector<1x16xf32>
      tpu.vector_store %arg5[%swap3A, %swap3A_61], %swap3A_64 {strides = array<i32>} : memref<80x128xf32, #tpu.memory_space<vmem>>, vector<1x16xf32>,
      %swap3A_65 = arith.index_cast %scan3A_60 : i32 to index
      %swap3A_66 = arith.constant 16 : index
      %swap3A_67 = tpu.vector_load %arg5[%swap3A_65, %swap3A_66] {strides = array<i32>} : memref<80x128xf32, #tpu.memory_space<vmem>>, vector<1x16xf32>,
      %swap3A_68 = vector.shape_cast %swap3A_67 : vector<1x16xf32> to vector<16xf32>
      %swap3A_69 = vector.shape_cast %broadcast_in_dim3A_40 : vector<16xf32> to vector<1x16xf32>
      tpu.vector_store %arg5[%swap3A_65, %swap3A_66], %swap3A_69 {strides = array<i32>} : memref<80x128xf32, #tpu.memory_space<vmem>>, vector<1x16xf32>,
      %swap3A_70 = arith.index_cast %scan3A_60 : i32 to index
      %swap3A_71 = arith.constant 32 : index
      %swap3A_72 = tpu.vector_load %arg5[%swap3A_70, %swap3A_71] {strides = array<i32>} : memref<80x128xf32, #tpu.memory_space<vmem>>, vector<1x16xf32>,
      %swap3A_73 = vector.shape_cast %swap3A_72 : vector<1x16xf32> to vector<16xf32>
      %swap3A_74 = vector.shape_cast %broadcast_in_dim3A_40 : vector<16xf32> to vector<1x16xf32>
      tpu.vector_store %arg5[%swap3A_70, %swap3A_71], %swap3A_74 {strides = array<i32>} : memref<80x128xf32, #tpu.memory_space<vmem>>, vector<1x16xf32>,
      %swap3A_75 = arith.index_cast %scan3A_60 : i32 to index
      %swap3A_76 = arith.constant 48 : index
      %swap3A_77 = tpu.vector_load %arg5[%swap3A_75, %swap3A_76] {strides = array<i32>} : memref<80x128xf32, #tpu.memory_space<vmem>>, vector<1x16xf32>,
      %swap3A_78 = vector.shape_cast %swap3A_77 : vector<1x16xf32> to vector<16xf32>
      %swap3A_79 = vector.shape_cast %broadcast_in_dim3A_40 : vector<16xf32> to vector<1x16xf32>
      tpu.vector_store %arg5[%swap3A_75, %swap3A_76], %swap3A_79 {strides = array<i32>} : memref<80x128xf32, #tpu.memory_space<vmem>>, vector<1x16xf32>,
      %swap3A_80 = arith.index_cast %scan3A_60 : i32 to index
      %swap3A_81 = arith.constant 64 : index
      %swap3A_82 = tpu.vector_load %arg5[%swap3A_80, %swap3A_81] {strides = array<i32>} : memref<80x128xf32, #tpu.memory_space<vmem>>, vector<1x16xf32>,
      %swap3A_83 = vector.shape_cast %swap3A_82 : vector<1x16xf32> to vector<16xf32>
      %swap3A_84 = vector.shape_cast %broadcast_in_dim3A_40 : vector<16xf32> to vector<1x16xf32>
      tpu.vector_store %arg5[%swap3A_80, %swap3A_81], %swap3A_84 {strides = array<i32>} : memref<80x128xf32, #tpu.memory_space<vmem>>, vector<1x16xf32>,
      %swap3A_85 = arith.index_cast %scan3A_60 : i32 to index
      %swap3A_86 = arith.constant 80 : index
      %swap3A_87 = tpu.vector_load %arg5[%swap3A_85, %swap3A_86] {strides = array<i32>} : memref<80x128xf32, #tpu.memory_space<vmem>>, vector<1x16xf32>,
      %swap3A_88 = vector.shape_cast %swap3A_87 : vector<1x16xf32> to vector<16xf32>
      %swap3A_89 = vector.shape_cast %broadcast_in_dim3A_40 : vector<16xf32> to vector<1x16xf32>
      tpu.vector_store %arg5[%swap3A_85, %swap3A_86], %swap3A_89 {strides = array<i32>} : memref<80x128xf32, #tpu.memory_space<vmem>>, vector<1x16xf32>,
      %swap3A_90 = arith.index_cast %scan3A_60 : i32 to index
      %swap3A_91 = arith.constant 96 : index
      %swap3A_92 = tpu.vector_load %arg5[%swap3A_90, %swap3A_91] {strides = array<i32>} : memref<80x128xf32, #tpu.memory_space<vmem>>, vector<1x16xf32>,
      %swap3A_93 = vector.shape_cast %swap3A_92 : vector<1x16xf32> to vector<16xf32>
      %swap3A_94 = vector.shape_cast %broadcast_in_dim3A_40 : vector<16xf32> to vector<1x16xf32>
      tpu.vector_store %arg5[%swap3A_90, %swap3A_91], %swap3A_94 {strides = array<i32>} : memref<80x128xf32, #tpu.memory_space<vmem>>, vector<1x16xf32>,
      %swap3A_95 = arith.index_cast %scan3A_60 : i32 to index
      %swap3A_96 = arith.constant 112 : index
      %swap3A_97 = tpu.vector_load %arg5[%swap3A_95, %swap3A_96] {strides = array<i32>} : memref<80x128xf32, #tpu.memory_space<vmem>>, vector<1x16xf32>,
      %swap3A_98 = vector.shape_cast %swap3A_97 : vector<1x16xf32> to vector<16xf32>
      %swap3A_99 = vector.shape_cast %broadcast_in_dim3A_40 : vector<16xf32> to vector<1x16xf32>
      tpu.vector_store %arg5[%swap3A_95, %swap3A_96], %swap3A_99 {strides = array<i32>} : memref<80x128xf32, #tpu.memory_space<vmem>>, vector<1x16xf32>,
    }
    %scan3A_46 = arith.constant 80 : i32
    %barrier3A = arith.constant 0 : index
    tpu.barrier barrier_id(%barrier3A)
    %mul3A_47 = arith.constant 10000 : i32
    %mul3A_48 = arith.muli %add3A, %mul3A_47 : i32
    %scan3A_49 = arith.constant 0 : i32
    %scan3A_50 = arith.constant 0 : i32
    %scan3A_51 = arith.constant 125 : i32
    %scan3A_52 = arith.addi %scan3A_50, %scan3A_51 : i32
    %scan3A_53 = arith.constant 1 : i32
    scf.for %scan3A_60 = %scan3A_50 to %scan3A_52 step %scan3A_53  : i32 {
      %mul3A_61 = arith.constant 80 : i32
      %mul3A_62 = arith.muli %scan3A_60, %mul3A_61 : i32
      %add3A_63 = arith.addi %mul3A_48, %mul3A_62 : i32
      "tpu.region"() ({
        %run_scoped3A = tpu.sem_alloc : memref<!tpu.dma_semaphore, #tpu.memory_space<semaphore_mem>>
        %dma_start3A = tpu.memref_slice %arg2[%add3A_63] : memref<320000xi32, #tpu.memory_space<hbm>> -> memref<80xi32, #tpu.memory_space<hbm>>
        %dma_start3A_64 = tpu.memref_slice %arg2[%add3A_63] : memref<320000xi32, #tpu.memory_space<hbm>> -> memref<80xi32, #tpu.memory_space<hbm>>
        tpu.enqueue_dma source(%dma_start3A_64 : memref<80xi32, #tpu.memory_space<hbm>>) target(%arg4 : memref<80xi32, #tpu.memory_space<vmem>>) target_semaphore(%run_scoped3A : memref<!tpu.dma_semaphore, #tpu.memory_space<semaphore_mem>>)
        %dma_wait3A = tpu.memref_slice %arg2[%add3A_63] : memref<320000xi32, #tpu.memory_space<hbm>> -> memref<80xi32, #tpu.memory_space<hbm>>
        %dma_wait3A_65 = tpu.memref_slice %arg2[%add3A_63] : memref<320000xi32, #tpu.memory_space<hbm>> -> memref<80xi32, #tpu.memory_space<hbm>>
        tpu.wait_dma2 semaphore(%run_scoped3A : memref<!tpu.dma_semaphore, #tpu.memory_space<semaphore_mem>>) src(%dma_wait3A_65 : memref<80xi32, #tpu.memory_space<hbm>>) dst(%arg4 : memref<80xi32, #tpu.memory_space<vmem>>)
        tpu.yield
      }) : () -> ()
      "tpu.region"() ({
        %run_scoped3A = tpu.sem_alloc : memref<!tpu.dma_semaphore, #tpu.memory_space<semaphore_mem>>
        %dma_start3A = arith.constant 0 : i32
        %dma_start3A_64 = arith.constant 0 : i32
        %dma_start3A_65 = tpu.memref_slice %arg6[%dma_start3A, %dma_start3A_64] : memref<10240x128xf32, #tpu.memory_space<vmem_shared>> -> memref<10240x128xf32, #tpu.memory_space<vmem_shared>>
        tpu.enqueue_indirect_dma source(%arg5 : memref<80x128xf32, #tpu.memory_space<vmem>>) target(%dma_start3A_65 : memref<10240x128xf32, #tpu.memory_space<vmem_shared>>) offsets(%arg4 : memref<80xi32, #tpu.memory_space<vmem>>) semaphore(%run_scoped3A : memref<!tpu.dma_semaphore, #tpu.memory_space<semaphore_mem>>) {add = true}
        %dma_wait3A = arith.constant 0 : i32
        %dma_wait3A_66 = arith.constant 0 : i32
        %dma_wait3A_67 = tpu.memref_slice %arg6[%dma_wait3A, %dma_wait3A_66] : memref<10240x128xf32, #tpu.memory_space<vmem_shared>> -> memref<10240x128xf32, #tpu.memory_space<vmem_shared>>
        tpu.wait_indirect_dma semaphore(%run_scoped3A : memref<!tpu.dma_semaphore, #tpu.memory_space<semaphore_mem>>) src(%arg5 : memref<80x128xf32, #tpu.memory_space<vmem>>) dst(%dma_wait3A_67 : memref<10240x128xf32, #tpu.memory_space<vmem_shared>>)
        tpu.yield
      }) : () -> ()
    }
    %scan3A_54 = arith.constant 125 : i32
    %barrier3A_55 = arith.constant 0 : index
    tpu.barrier barrier_id(%barrier3A_55)
    %mul3A_56 = arith.constant 640 : i32
    %mul3A_57 = arith.muli %arg1, %mul3A_56 : i32
    %mul3A_58 = arith.constant 640 : i32
    %mul3A_59 = arith.muli %arg1, %mul3A_58 : i32
    "tpu.region"() ({
      %run_scoped3A = tpu.sem_alloc : memref<!tpu.dma_semaphore, #tpu.memory_space<semaphore_mem>>
      %dma_start3A = arith.constant 0 : i32
      %dma_start3A_60 = arith.constant 0 : i32
      %dma_start3A_61 = tpu.memref_slice %arg3[%arg0, %dma_start3A, %dma_start3A_60] : memref<2x10240x128xf32, #tpu.memory_space<hbm>> -> memref<1x10240x128xf32, #tpu.memory_space<hbm>>
      %dma_start3A_62 = tpu.memref_squeeze %dma_start3A_61 : memref<1x10240x128xf32, #tpu.memory_space<hbm>> -> memref<10240x128xf32, #tpu.memory_space<hbm>>
      %dma_start3A_63 = arith.constant 0 : i32
      %dma_start3A_64 = tpu.memref_slice %dma_start3A_62[%mul3A_59, %dma_start3A_63] : memref<10240x128xf32, #tpu.memory_space<hbm>> -> memref<640x128xf32, #tpu.memory_space<hbm>>
      %dma_start3A_65 = arith.constant 0 : i32
      %dma_start3A_66 = tpu.memref_slice %arg6[%mul3A_57, %dma_start3A_65] : memref<10240x128xf32, #tpu.memory_space<vmem_shared>> -> memref<640x128xf32, #tpu.memory_space<vmem_shared>>
      tpu.enqueue_dma source(%dma_start3A_66 : memref<640x128xf32, #tpu.memory_space<vmem_shared>>) target(%dma_start3A_64 : memref<640x128xf32, #tpu.memory_space<hbm>>) target_semaphore(%run_scoped3A : memref<!tpu.dma_semaphore, #tpu.memory_space<semaphore_mem>>)
      %dma_wait3A = arith.constant 0 : i32
      %dma_wait3A_67 = arith.constant 0 : i32
      %dma_wait3A_68 = tpu.memref_slice %arg3[%arg0, %dma_wait3A, %dma_wait3A_67] : memref<2x10240x128xf32, #tpu.memory_space<hbm>> -> memref<1x10240x128xf32, #tpu.memory_space<hbm>>
      %dma_wait3A_69 = tpu.memref_squeeze %dma_wait3A_68 : memref<1x10240x128xf32, #tpu.memory_space<hbm>> -> memref<10240x128xf32, #tpu.memory_space<hbm>>
      %dma_wait3A_70 = arith.constant 0 : i32
      %dma_wait3A_71 = tpu.memref_slice %dma_wait3A_69[%mul3A_59, %dma_wait3A_70] : memref<10240x128xf32, #tpu.memory_space<hbm>> -> memref<640x128xf32, #tpu.memory_space<hbm>>
      %dma_wait3A_72 = arith.constant 0 : i32
      %dma_wait3A_73 = tpu.memref_slice %arg6[%mul3A_57, %dma_wait3A_72] : memref<10240x128xf32, #tpu.memory_space<vmem_shared>> -> memref<640x128xf32, #tpu.memory_space<vmem_shared>>
      tpu.wait_dma2 semaphore(%run_scoped3A : memref<!tpu.dma_semaphore, #tpu.memory_space<semaphore_mem>>) src(%dma_wait3A_73 : memref<640x128xf32, #tpu.memory_space<vmem_shared>>) dst(%dma_wait3A_71 : memref<640x128xf32, #tpu.memory_space<hbm>>)
      tpu.yield
    }) : () -> ()
    return
  }
}

#map = affine_map<(d0, d1) -> (0, 0)>
#map1 = affine_map<(d0, d1) -> (0)>
#map2 = affine_map<(d0, d1) -> (0, 0, 0)>
module attributes {stable_mosaic.version = 14 : i64} {
  func.func @_acc_kernel(%arg0: i32, %arg1: i32, %arg2: memref<10240x128xf32, #tpu.memory_space<hbm>>, %arg3: memref<320000xi32, #tpu.memory_space<hbm>>, %arg4: memref<320000xi32, #tpu.memory_space<hbm>>, %arg5: memref<2x10240x128xf32, #tpu.memory_space<hbm>>, %arg6: memref<80xi32, #tpu.memory_space<vmem>>, %arg7: memref<80xi32, #tpu.memory_space<vmem>>, %arg8: memref<80x128xf32, #tpu.memory_space<vmem>>, %arg9: memref<80x128xf32, #tpu.memory_space<vmem>>, %arg10: memref<10240x128xf32, #tpu.memory_space<vmem_shared>>, %arg11: memref<!tpu.dma_semaphore, #tpu.memory_space<semaphore_mem>>) attributes {dimension_semantics = [#tpu.dimension_semantics<core_parallel>, #tpu.dimension_semantics<subcore_parallel>], iteration_bounds = array<i64: 2, 16>, scalar_prefetch = 0 : i64, scratch_operands = 6 : i64, tpu.core_type = #tpu.core_type<sc_vector_subcore>, window_params = [{transform_indices = #map}, {transform_indices = #map1}, {transform_indices = #map1}, {transform_indices = #map2}]} {
    %mul3A = arith.constant 16 : i32
    %mul3A_0 = arith.muli %arg0, %mul3A : i32
    %add3A = arith.addi %mul3A_0, %arg1 : i32
    %broadcast_in_dim3A = arith.constant 0.000000e+00 : f32
    %broadcast_in_dim3A_1 = vector.broadcast %broadcast_in_dim3A : f32 to vector<16xf32>
    %scan3A = arith.constant 0 : i32
    %scan3A_2 = arith.constant 0 : i32
    %scan3A_3 = arith.constant 80 : i32
    %scan3A_4 = arith.addi %scan3A_2, %scan3A_3 : i32
    %scan3A_5 = arith.constant 1 : i32
    scf.for %scan3A_52 = %scan3A_2 to %scan3A_4 step %scan3A_5  : i32 {
      %swap3A = arith.index_cast %scan3A_52 : i32 to index
      %swap3A_53 = arith.constant 0 : index
      %swap3A_54 = tpu.vector_load %arg9[%swap3A, %swap3A_53] {strides = array<i32>} : memref<80x128xf32, #tpu.memory_space<vmem>>, vector<1x16xf32>,
      %swap3A_55 = vector.shape_cast %swap3A_54 : vector<1x16xf32> to vector<16xf32>
      %swap3A_56 = vector.shape_cast %broadcast_in_dim3A_1 : vector<16xf32> to vector<1x16xf32>
      tpu.vector_store %arg9[%swap3A, %swap3A_53], %swap3A_56 {strides = array<i32>} : memref<80x128xf32, #tpu.memory_space<vmem>>, vector<1x16xf32>,
      %swap3A_57 = arith.index_cast %scan3A_52 : i32 to index
      %swap3A_58 = arith.constant 16 : index
      %swap3A_59 = tpu.vector_load %arg9[%swap3A_57, %swap3A_58] {strides = array<i32>} : memref<80x128xf32, #tpu.memory_space<vmem>>, vector<1x16xf32>,
      %swap3A_60 = vector.shape_cast %swap3A_59 : vector<1x16xf32> to vector<16xf32>
      %swap3A_61 = vector.shape_cast %broadcast_in_dim3A_1 : vector<16xf32> to vector<1x16xf32>
      tpu.vector_store %arg9[%swap3A_57, %swap3A_58], %swap3A_61 {strides = array<i32>} : memref<80x128xf32, #tpu.memory_space<vmem>>, vector<1x16xf32>,
      %swap3A_62 = arith.index_cast %scan3A_52 : i32 to index
      %swap3A_63 = arith.constant 32 : index
      %swap3A_64 = tpu.vector_load %arg9[%swap3A_62, %swap3A_63] {strides = array<i32>} : memref<80x128xf32, #tpu.memory_space<vmem>>, vector<1x16xf32>,
      %swap3A_65 = vector.shape_cast %swap3A_64 : vector<1x16xf32> to vector<16xf32>
      %swap3A_66 = vector.shape_cast %broadcast_in_dim3A_1 : vector<16xf32> to vector<1x16xf32>
      tpu.vector_store %arg9[%swap3A_62, %swap3A_63], %swap3A_66 {strides = array<i32>} : memref<80x128xf32, #tpu.memory_space<vmem>>, vector<1x16xf32>,
      %swap3A_67 = arith.index_cast %scan3A_52 : i32 to index
      %swap3A_68 = arith.constant 48 : index
      %swap3A_69 = tpu.vector_load %arg9[%swap3A_67, %swap3A_68] {strides = array<i32>} : memref<80x128xf32, #tpu.memory_space<vmem>>, vector<1x16xf32>,
      %swap3A_70 = vector.shape_cast %swap3A_69 : vector<1x16xf32> to vector<16xf32>
      %swap3A_71 = vector.shape_cast %broadcast_in_dim3A_1 : vector<16xf32> to vector<1x16xf32>
      tpu.vector_store %arg9[%swap3A_67, %swap3A_68], %swap3A_71 {strides = array<i32>} : memref<80x128xf32, #tpu.memory_space<vmem>>, vector<1x16xf32>,
      %swap3A_72 = arith.index_cast %scan3A_52 : i32 to index
      %swap3A_73 = arith.constant 64 : index
      %swap3A_74 = tpu.vector_load %arg9[%swap3A_72, %swap3A_73] {strides = array<i32>} : memref<80x128xf32, #tpu.memory_space<vmem>>, vector<1x16xf32>,
      %swap3A_75 = vector.shape_cast %swap3A_74 : vector<1x16xf32> to vector<16xf32>
      %swap3A_76 = vector.shape_cast %broadcast_in_dim3A_1 : vector<16xf32> to vector<1x16xf32>
      tpu.vector_store %arg9[%swap3A_72, %swap3A_73], %swap3A_76 {strides = array<i32>} : memref<80x128xf32, #tpu.memory_space<vmem>>, vector<1x16xf32>,
      %swap3A_77 = arith.index_cast %scan3A_52 : i32 to index
      %swap3A_78 = arith.constant 80 : index
      %swap3A_79 = tpu.vector_load %arg9[%swap3A_77, %swap3A_78] {strides = array<i32>} : memref<80x128xf32, #tpu.memory_space<vmem>>, vector<1x16xf32>,
      %swap3A_80 = vector.shape_cast %swap3A_79 : vector<1x16xf32> to vector<16xf32>
      %swap3A_81 = vector.shape_cast %broadcast_in_dim3A_1 : vector<16xf32> to vector<1x16xf32>
      tpu.vector_store %arg9[%swap3A_77, %swap3A_78], %swap3A_81 {strides = array<i32>} : memref<80x128xf32, #tpu.memory_space<vmem>>, vector<1x16xf32>,
      %swap3A_82 = arith.index_cast %scan3A_52 : i32 to index
      %swap3A_83 = arith.constant 96 : index
      %swap3A_84 = tpu.vector_load %arg9[%swap3A_82, %swap3A_83] {strides = array<i32>} : memref<80x128xf32, #tpu.memory_space<vmem>>, vector<1x16xf32>,
      %swap3A_85 = vector.shape_cast %swap3A_84 : vector<1x16xf32> to vector<16xf32>
      %swap3A_86 = vector.shape_cast %broadcast_in_dim3A_1 : vector<16xf32> to vector<1x16xf32>
      tpu.vector_store %arg9[%swap3A_82, %swap3A_83], %swap3A_86 {strides = array<i32>} : memref<80x128xf32, #tpu.memory_space<vmem>>, vector<1x16xf32>,
      %swap3A_87 = arith.index_cast %scan3A_52 : i32 to index
      %swap3A_88 = arith.constant 112 : index
      %swap3A_89 = tpu.vector_load %arg9[%swap3A_87, %swap3A_88] {strides = array<i32>} : memref<80x128xf32, #tpu.memory_space<vmem>>, vector<1x16xf32>,
      %swap3A_90 = vector.shape_cast %swap3A_89 : vector<1x16xf32> to vector<16xf32>
      %swap3A_91 = vector.shape_cast %broadcast_in_dim3A_1 : vector<16xf32> to vector<1x16xf32>
      tpu.vector_store %arg9[%swap3A_87, %swap3A_88], %swap3A_91 {strides = array<i32>} : memref<80x128xf32, #tpu.memory_space<vmem>>, vector<1x16xf32>,
    }
    %scan3A_6 = arith.constant 80 : i32
    %mul3A_7 = arith.constant 640 : i32
    %mul3A_8 = arith.muli %arg1, %mul3A_7 : i32
    %add3A_9 = arith.constant 0 : i32
    %add3A_10 = arith.addi %mul3A_8, %add3A_9 : i32
    "tpu.region"() ({
      %run_scoped3A = tpu.sem_alloc : memref<!tpu.dma_semaphore, #tpu.memory_space<semaphore_mem>>
      %dma_start3A = arith.constant 0 : i32
      %dma_start3A_52 = tpu.memref_slice %arg10[%add3A_10, %dma_start3A] : memref<10240x128xf32, #tpu.memory_space<vmem_shared>> -> memref<80x128xf32, #tpu.memory_space<vmem_shared>>
      %dma_start3A_53 = arith.constant 0 : i32
      %dma_start3A_54 = tpu.memref_slice %arg10[%add3A_10, %dma_start3A_53] : memref<10240x128xf32, #tpu.memory_space<vmem_shared>> -> memref<80x128xf32, #tpu.memory_space<vmem_shared>>
      tpu.enqueue_dma source(%arg9 : memref<80x128xf32, #tpu.memory_space<vmem>>) target(%dma_start3A_54 : memref<80x128xf32, #tpu.memory_space<vmem_shared>>) target_semaphore(%run_scoped3A : memref<!tpu.dma_semaphore, #tpu.memory_space<semaphore_mem>>)
      %dma_wait3A = arith.constant 0 : i32
      %dma_wait3A_55 = tpu.memref_slice %arg10[%add3A_10, %dma_wait3A] : memref<10240x128xf32, #tpu.memory_space<vmem_shared>> -> memref<80x128xf32, #tpu.memory_space<vmem_shared>>
      %dma_wait3A_56 = arith.constant 0 : i32
      %dma_wait3A_57 = tpu.memref_slice %arg10[%add3A_10, %dma_wait3A_56] : memref<10240x128xf32, #tpu.memory_space<vmem_shared>> -> memref<80x128xf32, #tpu.memory_space<vmem_shared>>
      tpu.wait_dma2 semaphore(%run_scoped3A : memref<!tpu.dma_semaphore, #tpu.memory_space<semaphore_mem>>) src(%arg9 : memref<80x128xf32, #tpu.memory_space<vmem>>) dst(%dma_wait3A_57 : memref<80x128xf32, #tpu.memory_space<vmem_shared>>)
      tpu.yield
    }) : () -> ()
    %mul3A_11 = arith.constant 640 : i32
    %mul3A_12 = arith.muli %arg1, %mul3A_11 : i32
    %add3A_13 = arith.constant 80 : i32
    %add3A_14 = arith.addi %mul3A_12, %add3A_13 : i32
    "tpu.region"() ({
      %run_scoped3A = tpu.sem_alloc : memref<!tpu.dma_semaphore, #tpu.memory_space<semaphore_mem>>
      %dma_start3A = arith.constant 0 : i32
      %dma_start3A_52 = tpu.memref_slice %arg10[%add3A_14, %dma_start3A] : memref<10240x128xf32, #tpu.memory_space<vmem_shared>> -> memref<80x128xf32, #tpu.memory_space<vmem_shared>>
      %dma_start3A_53 = arith.constant 0 : i32
      %dma_start3A_54 = tpu.memref_slice %arg10[%add3A_14, %dma_start3A_53] : memref<10240x128xf32, #tpu.memory_space<vmem_shared>> -> memref<80x128xf32, #tpu.memory_space<vmem_shared>>
      tpu.enqueue_dma source(%arg9 : memref<80x128xf32, #tpu.memory_space<vmem>>) target(%dma_start3A_54 : memref<80x128xf32, #tpu.memory_space<vmem_shared>>) target_semaphore(%run_scoped3A : memref<!tpu.dma_semaphore, #tpu.memory_space<semaphore_mem>>)
      %dma_wait3A = arith.constant 0 : i32
      %dma_wait3A_55 = tpu.memref_slice %arg10[%add3A_14, %dma_wait3A] : memref<10240x128xf32, #tpu.memory_space<vmem_shared>> -> memref<80x128xf32, #tpu.memory_space<vmem_shared>>
      %dma_wait3A_56 = arith.constant 0 : i32
      %dma_wait3A_57 = tpu.memref_slice %arg10[%add3A_14, %dma_wait3A_56] : memref<10240x128xf32, #tpu.memory_space<vmem_shared>> -> memref<80x128xf32, #tpu.memory_space<vmem_shared>>
      tpu.wait_dma2 semaphore(%run_scoped3A : memref<!tpu.dma_semaphore, #tpu.memory_space<semaphore_mem>>) src(%arg9 : memref<80x128xf32, #tpu.memory_space<vmem>>) dst(%dma_wait3A_57 : memref<80x128xf32, #tpu.memory_space<vmem_shared>>)
      tpu.yield
    }) : () -> ()
    %mul3A_15 = arith.constant 640 : i32
    %mul3A_16 = arith.muli %arg1, %mul3A_15 : i32
    %add3A_17 = arith.constant 160 : i32
    %add3A_18 = arith.addi %mul3A_16, %add3A_17 : i32
    "tpu.region"() ({
      %run_scoped3A = tpu.sem_alloc : memref<!tpu.dma_semaphore, #tpu.memory_space<semaphore_mem>>
      %dma_start3A = arith.constant 0 : i32
      %dma_start3A_52 = tpu.memref_slice %arg10[%add3A_18, %dma_start3A] : memref<10240x128xf32, #tpu.memory_space<vmem_shared>> -> memref<80x128xf32, #tpu.memory_space<vmem_shared>>
      %dma_start3A_53 = arith.constant 0 : i32
      %dma_start3A_54 = tpu.memref_slice %arg10[%add3A_18, %dma_start3A_53] : memref<10240x128xf32, #tpu.memory_space<vmem_shared>> -> memref<80x128xf32, #tpu.memory_space<vmem_shared>>
      tpu.enqueue_dma source(%arg9 : memref<80x128xf32, #tpu.memory_space<vmem>>) target(%dma_start3A_54 : memref<80x128xf32, #tpu.memory_space<vmem_shared>>) target_semaphore(%run_scoped3A : memref<!tpu.dma_semaphore, #tpu.memory_space<semaphore_mem>>)
      %dma_wait3A = arith.constant 0 : i32
      %dma_wait3A_55 = tpu.memref_slice %arg10[%add3A_18, %dma_wait3A] : memref<10240x128xf32, #tpu.memory_space<vmem_shared>> -> memref<80x128xf32, #tpu.memory_space<vmem_shared>>
      %dma_wait3A_56 = arith.constant 0 : i32
      %dma_wait3A_57 = tpu.memref_slice %arg10[%add3A_18, %dma_wait3A_56] : memref<10240x128xf32, #tpu.memory_space<vmem_shared>> -> memref<80x128xf32, #tpu.memory_space<vmem_shared>>
      tpu.wait_dma2 semaphore(%run_scoped3A : memref<!tpu.dma_semaphore, #tpu.memory_space<semaphore_mem>>) src(%arg9 : memref<80x128xf32, #tpu.memory_space<vmem>>) dst(%dma_wait3A_57 : memref<80x128xf32, #tpu.memory_space<vmem_shared>>)
      tpu.yield
    }) : () -> ()
    %mul3A_19 = arith.constant 640 : i32
    %mul3A_20 = arith.muli %arg1, %mul3A_19 : i32
    %add3A_21 = arith.constant 240 : i32
    %add3A_22 = arith.addi %mul3A_20, %add3A_21 : i32
    "tpu.region"() ({
      %run_scoped3A = tpu.sem_alloc : memref<!tpu.dma_semaphore, #tpu.memory_space<semaphore_mem>>
      %dma_start3A = arith.constant 0 : i32
      %dma_start3A_52 = tpu.memref_slice %arg10[%add3A_22, %dma_start3A] : memref<10240x128xf32, #tpu.memory_space<vmem_shared>> -> memref<80x128xf32, #tpu.memory_space<vmem_shared>>
      %dma_start3A_53 = arith.constant 0 : i32
      %dma_start3A_54 = tpu.memref_slice %arg10[%add3A_22, %dma_start3A_53] : memref<10240x128xf32, #tpu.memory_space<vmem_shared>> -> memref<80x128xf32, #tpu.memory_space<vmem_shared>>
      tpu.enqueue_dma source(%arg9 : memref<80x128xf32, #tpu.memory_space<vmem>>) target(%dma_start3A_54 : memref<80x128xf32, #tpu.memory_space<vmem_shared>>) target_semaphore(%run_scoped3A : memref<!tpu.dma_semaphore, #tpu.memory_space<semaphore_mem>>)
      %dma_wait3A = arith.constant 0 : i32
      %dma_wait3A_55 = tpu.memref_slice %arg10[%add3A_22, %dma_wait3A] : memref<10240x128xf32, #tpu.memory_space<vmem_shared>> -> memref<80x128xf32, #tpu.memory_space<vmem_shared>>
      %dma_wait3A_56 = arith.constant 0 : i32
      %dma_wait3A_57 = tpu.memref_slice %arg10[%add3A_22, %dma_wait3A_56] : memref<10240x128xf32, #tpu.memory_space<vmem_shared>> -> memref<80x128xf32, #tpu.memory_space<vmem_shared>>
      tpu.wait_dma2 semaphore(%run_scoped3A : memref<!tpu.dma_semaphore, #tpu.memory_space<semaphore_mem>>) src(%arg9 : memref<80x128xf32, #tpu.memory_space<vmem>>) dst(%dma_wait3A_57 : memref<80x128xf32, #tpu.memory_space<vmem_shared>>)
      tpu.yield
    }) : () -> ()
    %mul3A_23 = arith.constant 640 : i32
    %mul3A_24 = arith.muli %arg1, %mul3A_23 : i32
    %add3A_25 = arith.constant 320 : i32
    %add3A_26 = arith.addi %mul3A_24, %add3A_25 : i32
    "tpu.region"() ({
      %run_scoped3A = tpu.sem_alloc : memref<!tpu.dma_semaphore, #tpu.memory_space<semaphore_mem>>
      %dma_start3A = arith.constant 0 : i32
      %dma_start3A_52 = tpu.memref_slice %arg10[%add3A_26, %dma_start3A] : memref<10240x128xf32, #tpu.memory_space<vmem_shared>> -> memref<80x128xf32, #tpu.memory_space<vmem_shared>>
      %dma_start3A_53 = arith.constant 0 : i32
      %dma_start3A_54 = tpu.memref_slice %arg10[%add3A_26, %dma_start3A_53] : memref<10240x128xf32, #tpu.memory_space<vmem_shared>> -> memref<80x128xf32, #tpu.memory_space<vmem_shared>>
      tpu.enqueue_dma source(%arg9 : memref<80x128xf32, #tpu.memory_space<vmem>>) target(%dma_start3A_54 : memref<80x128xf32, #tpu.memory_space<vmem_shared>>) target_semaphore(%run_scoped3A : memref<!tpu.dma_semaphore, #tpu.memory_space<semaphore_mem>>)
      %dma_wait3A = arith.constant 0 : i32
      %dma_wait3A_55 = tpu.memref_slice %arg10[%add3A_26, %dma_wait3A] : memref<10240x128xf32, #tpu.memory_space<vmem_shared>> -> memref<80x128xf32, #tpu.memory_space<vmem_shared>>
      %dma_wait3A_56 = arith.constant 0 : i32
      %dma_wait3A_57 = tpu.memref_slice %arg10[%add3A_26, %dma_wait3A_56] : memref<10240x128xf32, #tpu.memory_space<vmem_shared>> -> memref<80x128xf32, #tpu.memory_space<vmem_shared>>
      tpu.wait_dma2 semaphore(%run_scoped3A : memref<!tpu.dma_semaphore, #tpu.memory_space<semaphore_mem>>) src(%arg9 : memref<80x128xf32, #tpu.memory_space<vmem>>) dst(%dma_wait3A_57 : memref<80x128xf32, #tpu.memory_space<vmem_shared>>)
      tpu.yield
    }) : () -> ()
    %mul3A_27 = arith.constant 640 : i32
    %mul3A_28 = arith.muli %arg1, %mul3A_27 : i32
    %add3A_29 = arith.constant 400 : i32
    %add3A_30 = arith.addi %mul3A_28, %add3A_29 : i32
    "tpu.region"() ({
      %run_scoped3A = tpu.sem_alloc : memref<!tpu.dma_semaphore, #tpu.memory_space<semaphore_mem>>
      %dma_start3A = arith.constant 0 : i32
      %dma_start3A_52 = tpu.memref_slice %arg10[%add3A_30, %dma_start3A] : memref<10240x128xf32, #tpu.memory_space<vmem_shared>> -> memref<80x128xf32, #tpu.memory_space<vmem_shared>>
      %dma_start3A_53 = arith.constant 0 : i32
      %dma_start3A_54 = tpu.memref_slice %arg10[%add3A_30, %dma_start3A_53] : memref<10240x128xf32, #tpu.memory_space<vmem_shared>> -> memref<80x128xf32, #tpu.memory_space<vmem_shared>>
      tpu.enqueue_dma source(%arg9 : memref<80x128xf32, #tpu.memory_space<vmem>>) target(%dma_start3A_54 : memref<80x128xf32, #tpu.memory_space<vmem_shared>>) target_semaphore(%run_scoped3A : memref<!tpu.dma_semaphore, #tpu.memory_space<semaphore_mem>>)
      %dma_wait3A = arith.constant 0 : i32
      %dma_wait3A_55 = tpu.memref_slice %arg10[%add3A_30, %dma_wait3A] : memref<10240x128xf32, #tpu.memory_space<vmem_shared>> -> memref<80x128xf32, #tpu.memory_space<vmem_shared>>
      %dma_wait3A_56 = arith.constant 0 : i32
      %dma_wait3A_57 = tpu.memref_slice %arg10[%add3A_30, %dma_wait3A_56] : memref<10240x128xf32, #tpu.memory_space<vmem_shared>> -> memref<80x128xf32, #tpu.memory_space<vmem_shared>>
      tpu.wait_dma2 semaphore(%run_scoped3A : memref<!tpu.dma_semaphore, #tpu.memory_space<semaphore_mem>>) src(%arg9 : memref<80x128xf32, #tpu.memory_space<vmem>>) dst(%dma_wait3A_57 : memref<80x128xf32, #tpu.memory_space<vmem_shared>>)
      tpu.yield
    }) : () -> ()
    %mul3A_31 = arith.constant 640 : i32
    %mul3A_32 = arith.muli %arg1, %mul3A_31 : i32
    %add3A_33 = arith.constant 480 : i32
    %add3A_34 = arith.addi %mul3A_32, %add3A_33 : i32
    "tpu.region"() ({
      %run_scoped3A = tpu.sem_alloc : memref<!tpu.dma_semaphore, #tpu.memory_space<semaphore_mem>>
      %dma_start3A = arith.constant 0 : i32
      %dma_start3A_52 = tpu.memref_slice %arg10[%add3A_34, %dma_start3A] : memref<10240x128xf32, #tpu.memory_space<vmem_shared>> -> memref<80x128xf32, #tpu.memory_space<vmem_shared>>
      %dma_start3A_53 = arith.constant 0 : i32
      %dma_start3A_54 = tpu.memref_slice %arg10[%add3A_34, %dma_start3A_53] : memref<10240x128xf32, #tpu.memory_space<vmem_shared>> -> memref<80x128xf32, #tpu.memory_space<vmem_shared>>
      tpu.enqueue_dma source(%arg9 : memref<80x128xf32, #tpu.memory_space<vmem>>) target(%dma_start3A_54 : memref<80x128xf32, #tpu.memory_space<vmem_shared>>) target_semaphore(%run_scoped3A : memref<!tpu.dma_semaphore, #tpu.memory_space<semaphore_mem>>)
      %dma_wait3A = arith.constant 0 : i32
      %dma_wait3A_55 = tpu.memref_slice %arg10[%add3A_34, %dma_wait3A] : memref<10240x128xf32, #tpu.memory_space<vmem_shared>> -> memref<80x128xf32, #tpu.memory_space<vmem_shared>>
      %dma_wait3A_56 = arith.constant 0 : i32
      %dma_wait3A_57 = tpu.memref_slice %arg10[%add3A_34, %dma_wait3A_56] : memref<10240x128xf32, #tpu.memory_space<vmem_shared>> -> memref<80x128xf32, #tpu.memory_space<vmem_shared>>
      tpu.wait_dma2 semaphore(%run_scoped3A : memref<!tpu.dma_semaphore, #tpu.memory_space<semaphore_mem>>) src(%arg9 : memref<80x128xf32, #tpu.memory_space<vmem>>) dst(%dma_wait3A_57 : memref<80x128xf32, #tpu.memory_space<vmem_shared>>)
      tpu.yield
    }) : () -> ()
    %mul3A_35 = arith.constant 640 : i32
    %mul3A_36 = arith.muli %arg1, %mul3A_35 : i32
    %add3A_37 = arith.constant 560 : i32
    %add3A_38 = arith.addi %mul3A_36, %add3A_37 : i32
    "tpu.region"() ({
      %run_scoped3A = tpu.sem_alloc : memref<!tpu.dma_semaphore, #tpu.memory_space<semaphore_mem>>
      %dma_start3A = arith.constant 0 : i32
      %dma_start3A_52 = tpu.memref_slice %arg10[%add3A_38, %dma_start3A] : memref<10240x128xf32, #tpu.memory_space<vmem_shared>> -> memref<80x128xf32, #tpu.memory_space<vmem_shared>>
      %dma_start3A_53 = arith.constant 0 : i32
      %dma_start3A_54 = tpu.memref_slice %arg10[%add3A_38, %dma_start3A_53] : memref<10240x128xf32, #tpu.memory_space<vmem_shared>> -> memref<80x128xf32, #tpu.memory_space<vmem_shared>>
      tpu.enqueue_dma source(%arg9 : memref<80x128xf32, #tpu.memory_space<vmem>>) target(%dma_start3A_54 : memref<80x128xf32, #tpu.memory_space<vmem_shared>>) target_semaphore(%run_scoped3A : memref<!tpu.dma_semaphore, #tpu.memory_space<semaphore_mem>>)
      %dma_wait3A = arith.constant 0 : i32
      %dma_wait3A_55 = tpu.memref_slice %arg10[%add3A_38, %dma_wait3A] : memref<10240x128xf32, #tpu.memory_space<vmem_shared>> -> memref<80x128xf32, #tpu.memory_space<vmem_shared>>
      %dma_wait3A_56 = arith.constant 0 : i32
      %dma_wait3A_57 = tpu.memref_slice %arg10[%add3A_38, %dma_wait3A_56] : memref<10240x128xf32, #tpu.memory_space<vmem_shared>> -> memref<80x128xf32, #tpu.memory_space<vmem_shared>>
      tpu.wait_dma2 semaphore(%run_scoped3A : memref<!tpu.dma_semaphore, #tpu.memory_space<semaphore_mem>>) src(%arg9 : memref<80x128xf32, #tpu.memory_space<vmem>>) dst(%dma_wait3A_57 : memref<80x128xf32, #tpu.memory_space<vmem_shared>>)
      tpu.yield
    }) : () -> ()
    %barrier3A = arith.constant 0 : index
    tpu.barrier barrier_id(%barrier3A)
    %mul3A_39 = arith.constant 10000 : i32
    %mul3A_40 = arith.muli %add3A, %mul3A_39 : i32
    %scan3A_41 = arith.constant 0 : i32
    %scan3A_42 = arith.constant 0 : i32
    %scan3A_43 = arith.constant 125 : i32
    %scan3A_44 = arith.addi %scan3A_42, %scan3A_43 : i32
    %scan3A_45 = arith.constant 1 : i32
    scf.for %scan3A_52 = %scan3A_42 to %scan3A_44 step %scan3A_45  : i32 {
      %mul3A_53 = arith.constant 80 : i32
      %mul3A_54 = arith.muli %scan3A_52, %mul3A_53 : i32
      %add3A_55 = arith.addi %mul3A_40, %mul3A_54 : i32
      "tpu.region"() ({
        %run_scoped3A = tpu.sem_alloc : memref<!tpu.dma_semaphore, #tpu.memory_space<semaphore_mem>>
        %dma_start3A_63 = tpu.memref_slice %arg3[%add3A_55] : memref<320000xi32, #tpu.memory_space<hbm>> -> memref<80xi32, #tpu.memory_space<hbm>>
        %dma_start3A_64 = tpu.memref_slice %arg3[%add3A_55] : memref<320000xi32, #tpu.memory_space<hbm>> -> memref<80xi32, #tpu.memory_space<hbm>>
        tpu.enqueue_dma source(%dma_start3A_64 : memref<80xi32, #tpu.memory_space<hbm>>) target(%arg6 : memref<80xi32, #tpu.memory_space<vmem>>) target_semaphore(%run_scoped3A : memref<!tpu.dma_semaphore, #tpu.memory_space<semaphore_mem>>)
        %dma_wait3A_65 = tpu.memref_slice %arg3[%add3A_55] : memref<320000xi32, #tpu.memory_space<hbm>> -> memref<80xi32, #tpu.memory_space<hbm>>
        %dma_wait3A_66 = tpu.memref_slice %arg3[%add3A_55] : memref<320000xi32, #tpu.memory_space<hbm>> -> memref<80xi32, #tpu.memory_space<hbm>>
        tpu.wait_dma2 semaphore(%run_scoped3A : memref<!tpu.dma_semaphore, #tpu.memory_space<semaphore_mem>>) src(%dma_wait3A_66 : memref<80xi32, #tpu.memory_space<hbm>>) dst(%arg6 : memref<80xi32, #tpu.memory_space<vmem>>)
        tpu.yield
      }) : () -> ()
      %mul3A_56 = arith.constant 80 : i32
      %mul3A_57 = arith.muli %scan3A_52, %mul3A_56 : i32
      %add3A_58 = arith.addi %mul3A_40, %mul3A_57 : i32
      "tpu.region"() ({
        %run_scoped3A = tpu.sem_alloc : memref<!tpu.dma_semaphore, #tpu.memory_space<semaphore_mem>>
        %dma_start3A_63 = tpu.memref_slice %arg4[%add3A_58] : memref<320000xi32, #tpu.memory_space<hbm>> -> memref<80xi32, #tpu.memory_space<hbm>>
        %dma_start3A_64 = tpu.memref_slice %arg4[%add3A_58] : memref<320000xi32, #tpu.memory_space<hbm>> -> memref<80xi32, #tpu.memory_space<hbm>>
        tpu.enqueue_dma source(%dma_start3A_64 : memref<80xi32, #tpu.memory_space<hbm>>) target(%arg7 : memref<80xi32, #tpu.memory_space<vmem>>) target_semaphore(%run_scoped3A : memref<!tpu.dma_semaphore, #tpu.memory_space<semaphore_mem>>)
        %dma_wait3A_65 = tpu.memref_slice %arg4[%add3A_58] : memref<320000xi32, #tpu.memory_space<hbm>> -> memref<80xi32, #tpu.memory_space<hbm>>
        %dma_wait3A_66 = tpu.memref_slice %arg4[%add3A_58] : memref<320000xi32, #tpu.memory_space<hbm>> -> memref<80xi32, #tpu.memory_space<hbm>>
        tpu.wait_dma2 semaphore(%run_scoped3A : memref<!tpu.dma_semaphore, #tpu.memory_space<semaphore_mem>>) src(%dma_wait3A_66 : memref<80xi32, #tpu.memory_space<hbm>>) dst(%arg7 : memref<80xi32, #tpu.memory_space<vmem>>)
        tpu.yield
      }) : () -> ()
      %dma_start3A = arith.constant 0 : i32
      %dma_start3A_59 = arith.constant 0 : i32
      %dma_start3A_60 = tpu.memref_slice %arg2[%dma_start3A, %dma_start3A_59] : memref<10240x128xf32, #tpu.memory_space<hbm>> -> memref<10240x128xf32, #tpu.memory_space<hbm>>
      tpu.enqueue_indirect_dma source(%dma_start3A_60 : memref<10240x128xf32, #tpu.memory_space<hbm>>) target(%arg8 : memref<80x128xf32, #tpu.memory_space<vmem>>) offsets(%arg6 : memref<80xi32, #tpu.memory_space<vmem>>) semaphore(%arg11 : memref<!tpu.dma_semaphore, #tpu.memory_space<semaphore_mem>>)
      %dma_wait3A = arith.constant 0 : i32
      %dma_wait3A_61 = arith.constant 0 : i32
      %dma_wait3A_62 = tpu.memref_slice %arg2[%dma_wait3A, %dma_wait3A_61] : memref<10240x128xf32, #tpu.memory_space<hbm>> -> memref<10240x128xf32, #tpu.memory_space<hbm>>
      tpu.wait_indirect_dma semaphore(%arg11 : memref<!tpu.dma_semaphore, #tpu.memory_space<semaphore_mem>>) src(%dma_wait3A_62 : memref<10240x128xf32, #tpu.memory_space<hbm>>) dst(%arg8 : memref<80x128xf32, #tpu.memory_space<vmem>>)
      "tpu.region"() ({
        %run_scoped3A = tpu.sem_alloc : memref<!tpu.dma_semaphore, #tpu.memory_space<semaphore_mem>>
        %dma_start3A_63 = arith.constant 0 : i32
        %dma_start3A_64 = arith.constant 0 : i32
        %dma_start3A_65 = tpu.memref_slice %arg10[%dma_start3A_63, %dma_start3A_64] : memref<10240x128xf32, #tpu.memory_space<vmem_shared>> -> memref<10240x128xf32, #tpu.memory_space<vmem_shared>>
        tpu.enqueue_indirect_dma source(%arg8 : memref<80x128xf32, #tpu.memory_space<vmem>>) target(%dma_start3A_65 : memref<10240x128xf32, #tpu.memory_space<vmem_shared>>) offsets(%arg7 : memref<80xi32, #tpu.memory_space<vmem>>) semaphore(%run_scoped3A : memref<!tpu.dma_semaphore, #tpu.memory_space<semaphore_mem>>) {add = true}
        %dma_wait3A_66 = arith.constant 0 : i32
        %dma_wait3A_67 = arith.constant 0 : i32
        %dma_wait3A_68 = tpu.memref_slice %arg10[%dma_wait3A_66, %dma_wait3A_67] : memref<10240x128xf32, #tpu.memory_space<vmem_shared>> -> memref<10240x128xf32, #tpu.memory_space<vmem_shared>>
        tpu.wait_indirect_dma semaphore(%run_scoped3A : memref<!tpu.dma_semaphore, #tpu.memory_space<semaphore_mem>>) src(%arg8 : memref<80x128xf32, #tpu.memory_space<vmem>>) dst(%dma_wait3A_68 : memref<10240x128xf32, #tpu.memory_space<vmem_shared>>)
        tpu.yield
      }) : () -> ()
    }
    %scan3A_46 = arith.constant 125 : i32
    %barrier3A_47 = arith.constant 0 : index
    tpu.barrier barrier_id(%barrier3A_47)
    %mul3A_48 = arith.constant 640 : i32
    %mul3A_49 = arith.muli %arg1, %mul3A_48 : i32
    %mul3A_50 = arith.constant 640 : i32
    %mul3A_51 = arith.muli %arg1, %mul3A_50 : i32
    "tpu.region"() ({
      %run_scoped3A = tpu.sem_alloc : memref<!tpu.dma_semaphore, #tpu.memory_space<semaphore_mem>>
      %dma_start3A = arith.constant 0 : i32
      %dma_start3A_52 = arith.constant 0 : i32
      %dma_start3A_53 = tpu.memref_slice %arg5[%arg0, %dma_start3A, %dma_start3A_52] : memref<2x10240x128xf32, #tpu.memory_space<hbm>> -> memref<1x10240x128xf32, #tpu.memory_space<hbm>>
      %dma_start3A_54 = tpu.memref_squeeze %dma_start3A_53 : memref<1x10240x128xf32, #tpu.memory_space<hbm>> -> memref<10240x128xf32, #tpu.memory_space<hbm>>
      %dma_start3A_55 = arith.constant 0 : i32
      %dma_start3A_56 = tpu.memref_slice %dma_start3A_54[%mul3A_51, %dma_start3A_55] : memref<10240x128xf32, #tpu.memory_space<hbm>> -> memref<640x128xf32, #tpu.memory_space<hbm>>
      %dma_start3A_57 = arith.constant 0 : i32
      %dma_start3A_58 = tpu.memref_slice %arg10[%mul3A_49, %dma_start3A_57] : memref<10240x128xf32, #tpu.memory_space<vmem_shared>> -> memref<640x128xf32, #tpu.memory_space<vmem_shared>>
      tpu.enqueue_dma source(%dma_start3A_58 : memref<640x128xf32, #tpu.memory_space<vmem_shared>>) target(%dma_start3A_56 : memref<640x128xf32, #tpu.memory_space<hbm>>) target_semaphore(%run_scoped3A : memref<!tpu.dma_semaphore, #tpu.memory_space<semaphore_mem>>)
      %dma_wait3A = arith.constant 0 : i32
      %dma_wait3A_59 = arith.constant 0 : i32
      %dma_wait3A_60 = tpu.memref_slice %arg5[%arg0, %dma_wait3A, %dma_wait3A_59] : memref<2x10240x128xf32, #tpu.memory_space<hbm>> -> memref<1x10240x128xf32, #tpu.memory_space<hbm>>
      %dma_wait3A_61 = tpu.memref_squeeze %dma_wait3A_60 : memref<1x10240x128xf32, #tpu.memory_space<hbm>> -> memref<10240x128xf32, #tpu.memory_space<hbm>>
      %dma_wait3A_62 = arith.constant 0 : i32
      %dma_wait3A_63 = tpu.memref_slice %dma_wait3A_61[%mul3A_51, %dma_wait3A_62] : memref<10240x128xf32, #tpu.memory_space<hbm>> -> memref<640x128xf32, #tpu.memory_space<hbm>>
      %dma_wait3A_64 = arith.constant 0 : i32
      %dma_wait3A_65 = tpu.memref_slice %arg10[%mul3A_49, %dma_wait3A_64] : memref<10240x128xf32, #tpu.memory_space<vmem_shared>> -> memref<640x128xf32, #tpu.memory_space<vmem_shared>>
      tpu.wait_dma2 semaphore(%run_scoped3A : memref<!tpu.dma_semaphore, #tpu.memory_space<semaphore_mem>>) src(%dma_wait3A_65 : memref<640x128xf32, #tpu.memory_space<vmem_shared>>) dst(%dma_wait3A_63 : memref<640x128xf32, #tpu.memory_space<hbm>>)
      tpu.yield
    }) : () -> ()
    return
  }
}

module attributes {stable_mosaic.version = 14 : i64} {
  func.func @_tcA_body(%arg0: i32, %arg1: memref<1024x128xf32, #tpu.memory_space<vmem>>, %arg2: memref<128x128xf32, #tpu.memory_space<vmem>>, %arg3: memref<1024x128xf32, #tpu.memory_space<vmem>>, %arg4: memref<1024x128xf32, #tpu.memory_space<vmem>>, %arg5: memref<1024x128xf32, #tpu.memory_space<vmem>>, %arg6: memref<1024x1xf32, #tpu.memory_space<vmem>>) attributes {dimension_semantics = [#tpu.dimension_semantics<arbitrary>], iteration_bounds = array<i64: 10>, scalar_prefetch = 0 : i64, scratch_operands = 0 : i64, tpu.core_type = #tpu.core_type<tc>, window_params = [{transform_indices = @transform_0, window_bounds = array<i64: 1024, 128>}, {pipeline_mode = #tpu.pipeline_mode<synchronous>, transform_indices = @transform_1, window_bounds = array<i64: 128, 128>}, {transform_indices = @transform_2, window_bounds = array<i64: 1024, 128>}, {transform_indices = @transform_3, window_bounds = array<i64: 1024, 128>}, {transform_indices = @transform_4, window_bounds = array<i64: 1024, 128>}, {transform_indices = @transform_5, window_bounds = array<i64: 1024, 1>}]} {
    %get3A = arith.constant 0 : index
    %get3A_0 = arith.constant 0 : index
    %get3A_1 = vector.load %arg3[%get3A, %get3A_0] : memref<1024x128xf32, #tpu.memory_space<vmem>>, vector<1024x1xf32>
    %get3A_2 = arith.constant 0 : index
    %get3A_3 = arith.constant 0 : index
    %get3A_4 = vector.load %arg4[%get3A_2, %get3A_3] : memref<1024x128xf32, #tpu.memory_space<vmem>>, vector<1024x1xf32>
    %add3A = arith.addf %get3A_1, %get3A_4 : vector<1024x1xf32>
    %add3A_5 = arith.constant 1.000000e+00 : f32
    %add3A_6 = vector.broadcast %add3A_5 : f32 to vector<1024x1xf32>
    %add3A_7 = arith.addf %add3A, %add3A_6 : vector<1024x1xf32>
    %rsqrt3A = math.rsqrt %add3A_7 : vector<1024x1xf32>
    %get3A_8 = arith.constant 0 : index
    %get3A_9 = arith.constant 0 : index
    %get3A_10 = vector.load %arg1[%get3A_8, %get3A_9] : memref<1024x128xf32, #tpu.memory_space<vmem>>, vector<1024x128xf32>
    %get3A_11 = arith.constant 0 : index
    %get3A_12 = arith.constant 0 : index
    %get3A_13 = vector.load %arg2[%get3A_11, %get3A_12] : memref<128x128xf32, #tpu.memory_space<vmem>>, vector<128x128xf32>
    %dot_general3A = arith.constant dense<0.000000e+00> : vector<1024x128xf32>
    %dot_general3A_14 = tpu.matmul %get3A_10, %get3A_13, %dot_general3A {dimension_numbers = #tpu.dot_dimension_numbers<[1], [0], [0], [1], [0, 0, 1, 1], [], []>, transpose_lhs_hint = false} : vector<1024x128xf32>, vector<128x128xf32>, vector<1024x128xf32> -> vector<1024x128xf32>
    %mul3A = vector.broadcast %rsqrt3A : vector<1024x1xf32> to vector<1024x128xf32>
    %mul3A_15 = arith.mulf %dot_general3A_14, %mul3A : vector<1024x128xf32>
    %swap3A = arith.constant 0 : index
    %swap3A_16 = arith.constant 0 : index
    %swap3A_17 = vector.load %arg5[%swap3A, %swap3A_16] : memref<1024x128xf32, #tpu.memory_space<vmem>>, vector<1024x128xf32>
    tpu.vector_store %arg5[%swap3A, %swap3A_16], %mul3A_15 {strides = array<i32>} : memref<1024x128xf32, #tpu.memory_space<vmem>>, vector<1024x128xf32>,
    %swap3A_18 = arith.constant 0 : index
    %swap3A_19 = arith.constant 0 : index
    %swap3A_20 = vector.load %arg6[%swap3A_18, %swap3A_19] : memref<1024x1xf32, #tpu.memory_space<vmem>>, vector<1024x1xf32>
    tpu.vector_store %arg6[%swap3A_18, %swap3A_19], %rsqrt3A {strides = array<i32>} : memref<1024x1xf32, #tpu.memory_space<vmem>>, vector<1024x1xf32>,
    return
  }
  func.func @transform_0(%arg0: i32) -> (i32, i32) {
    %c0_i32 = arith.constant 0 : i32
    %c0_i32_0 = arith.constant 0 : i32
    return %arg0, %c0_i32 : i32, i32
  }
  func.func @transform_1(%arg0: i32) -> (i32, i32) {
    %c0_i32 = arith.constant 0 : i32
    %c0_i32_0 = arith.constant 0 : i32
    %c0_i32_1 = arith.constant 0 : i32
    return %c0_i32, %c0_i32_0 : i32, i32
  }
  func.func @transform_2(%arg0: i32) -> (i32, i32) {
    %c0_i32 = arith.constant 0 : i32
    %c0_i32_0 = arith.constant 0 : i32
    return %arg0, %c0_i32 : i32, i32
  }
  func.func @transform_3(%arg0: i32) -> (i32, i32) {
    %c0_i32 = arith.constant 0 : i32
    %c0_i32_0 = arith.constant 0 : i32
    return %arg0, %c0_i32 : i32, i32
  }
  func.func @transform_4(%arg0: i32) -> (i32, i32) {
    %c0_i32 = arith.constant 0 : i32
    %c0_i32_0 = arith.constant 0 : i32
    return %arg0, %c0_i32 : i32, i32
  }
  func.func @transform_5(%arg0: i32) -> (i32, i32) {
    %c0_i32 = arith.constant 0 : i32
    %c0_i32_0 = arith.constant 0 : i32
    return %arg0, %c0_i32 : i32, i32
  }
}

module attributes {stable_mosaic.version = 14 : i64} {
  func.func @_tcB_body(%arg0: i32, %arg1: memref<1024x128xf32, #tpu.memory_space<vmem>>, %arg2: memref<1024x128xf32, #tpu.memory_space<vmem>>, %arg3: memref<1024x128xf32, #tpu.memory_space<vmem>>, %arg4: memref<1024x1xf32, #tpu.memory_space<vmem>>, %arg5: memref<1x128xf32, #tpu.memory_space<vmem>>, %arg6: memref<128x128xf32, #tpu.memory_space<vmem>>, %arg7: memref<1024x128xf32, #tpu.memory_space<vmem>>) attributes {dimension_semantics = [#tpu.dimension_semantics<arbitrary>], iteration_bounds = array<i64: 10>, scalar_prefetch = 0 : i64, scratch_operands = 0 : i64, tpu.core_type = #tpu.core_type<tc>, window_params = [{transform_indices = @transform_0, window_bounds = array<i64: 1024, 128>}, {transform_indices = @transform_1, window_bounds = array<i64: 1024, 128>}, {transform_indices = @transform_2, window_bounds = array<i64: 1024, 128>}, {transform_indices = @transform_3, window_bounds = array<i64: 1024, 1>}, {pipeline_mode = #tpu.pipeline_mode<synchronous>, transform_indices = @transform_4, window_bounds = array<i64: 1, 128>}, {pipeline_mode = #tpu.pipeline_mode<synchronous>, transform_indices = @transform_5, window_bounds = array<i64: 128, 128>}, {transform_indices = @transform_6, window_bounds = array<i64: 1024, 128>}]} {
    %get3A = arith.constant 0 : index
    %get3A_0 = arith.constant 0 : index
    %get3A_1 = vector.load %arg4[%get3A, %get3A_0] : memref<1024x1xf32, #tpu.memory_space<vmem>>, vector<1024x1xf32>
    %get3A_2 = arith.constant 0 : index
    %get3A_3 = arith.constant 0 : index
    %get3A_4 = vector.load %arg1[%get3A_2, %get3A_3] : memref<1024x128xf32, #tpu.memory_space<vmem>>, vector<1024x128xf32>
    %get3A_5 = arith.constant 0 : index
    %get3A_6 = arith.constant 0 : index
    %get3A_7 = vector.load %arg2[%get3A_5, %get3A_6] : memref<1024x128xf32, #tpu.memory_space<vmem>>, vector<1024x128xf32>
    %add3A = arith.addf %get3A_4, %get3A_7 : vector<1024x128xf32>
    %get3A_8 = arith.constant 0 : index
    %get3A_9 = arith.constant 0 : index
    %get3A_10 = vector.load %arg3[%get3A_8, %get3A_9] : memref<1024x128xf32, #tpu.memory_space<vmem>>, vector<1024x128xf32>
    %add3A_11 = arith.addf %add3A, %get3A_10 : vector<1024x128xf32>
    %mul3A = vector.broadcast %get3A_1 : vector<1024x1xf32> to vector<1024x128xf32>
    %mul3A_12 = arith.mulf %mul3A, %add3A_11 : vector<1024x128xf32>
    %get3A_13 = arith.constant 0 : index
    %get3A_14 = arith.constant 0 : index
    %get3A_15 = vector.load %arg5[%get3A_13, %get3A_14] : memref<1x128xf32, #tpu.memory_space<vmem>>, vector<1x128xf32>
    %add3A_16 = vector.broadcast %get3A_15 : vector<1x128xf32> to vector<1024x128xf32>
    %add3A_17 = arith.addf %mul3A_12, %add3A_16 : vector<1024x128xf32>
    %max3A = arith.constant 0.000000e+00 : f32
    %max3A_18 = vector.broadcast %max3A : f32 to vector<1024x128xf32>
    %max3A_19 = arith.maximumf %add3A_17, %max3A_18 : vector<1024x128xf32>
    %get3A_20 = arith.constant 0 : index
    %get3A_21 = arith.constant 0 : index
    %get3A_22 = vector.load %arg6[%get3A_20, %get3A_21] : memref<128x128xf32, #tpu.memory_space<vmem>>, vector<128x128xf32>
    %dot_general3A = arith.constant dense<0.000000e+00> : vector<1024x128xf32>
    %dot_general3A_23 = tpu.matmul %max3A_19, %get3A_22, %dot_general3A {dimension_numbers = #tpu.dot_dimension_numbers<[1], [0], [0], [1], [0, 0, 1, 1], [], []>, transpose_lhs_hint = false} : vector<1024x128xf32>, vector<128x128xf32>, vector<1024x128xf32> -> vector<1024x128xf32>
    %mul3A_24 = vector.broadcast %get3A_1 : vector<1024x1xf32> to vector<1024x128xf32>
    %mul3A_25 = arith.mulf %dot_general3A_23, %mul3A_24 : vector<1024x128xf32>
    %swap3A = arith.constant 0 : index
    %swap3A_26 = arith.constant 0 : index
    %swap3A_27 = vector.load %arg7[%swap3A, %swap3A_26] : memref<1024x128xf32, #tpu.memory_space<vmem>>, vector<1024x128xf32>
    tpu.vector_store %arg7[%swap3A, %swap3A_26], %mul3A_25 {strides = array<i32>} : memref<1024x128xf32, #tpu.memory_space<vmem>>, vector<1024x128xf32>,
    return
  }
  func.func @transform_0(%arg0: i32) -> (i32, i32) {
    %c0_i32 = arith.constant 0 : i32
    %c0_i32_0 = arith.constant 0 : i32
    return %arg0, %c0_i32 : i32, i32
  }
  func.func @transform_1(%arg0: i32) -> (i32, i32) {
    %c0_i32 = arith.constant 0 : i32
    %c0_i32_0 = arith.constant 0 : i32
    return %arg0, %c0_i32 : i32, i32
  }
  func.func @transform_2(%arg0: i32) -> (i32, i32) {
    %c0_i32 = arith.constant 0 : i32
    %c0_i32_0 = arith.constant 0 : i32
    return %arg0, %c0_i32 : i32, i32
  }
  func.func @transform_3(%arg0: i32) -> (i32, i32) {
    %c0_i32 = arith.constant 0 : i32
    %c0_i32_0 = arith.constant 0 : i32
    return %arg0, %c0_i32 : i32, i32
  }
  func.func @transform_4(%arg0: i32) -> (i32, i32) {
    %c0_i32 = arith.constant 0 : i32
    %c0_i32_0 = arith.constant 0 : i32
    %c0_i32_1 = arith.constant 0 : i32
    return %c0_i32, %c0_i32_0 : i32, i32
  }
  func.func @transform_5(%arg0: i32) -> (i32, i32) {
    %c0_i32 = arith.constant 0 : i32
    %c0_i32_0 = arith.constant 0 : i32
    %c0_i32_1 = arith.constant 0 : i32
    return %c0_i32, %c0_i32_0 : i32, i32
  }
  func.func @transform_6(%arg0: i32) -> (i32, i32) {
    %c0_i32 = arith.constant 0 : i32
    %c0_i32_0 = arith.constant 0 : i32
    return %arg0, %c0_i32 : i32, i32
  }
}

module attributes {stable_mosaic.version = 14 : i64} {
  func.func @_tcC_body(%arg0: i32, %arg1: memref<1024x128xf32, #tpu.memory_space<vmem>>, %arg2: memref<1024x128xf32, #tpu.memory_space<vmem>>, %arg3: memref<1024x128xf32, #tpu.memory_space<vmem>>, %arg4: memref<1024x1xf32, #tpu.memory_space<vmem>>, %arg5: memref<1x128xf32, #tpu.memory_space<vmem>>, %arg6: memref<1024x100xf32, #tpu.memory_space<vmem>>) attributes {dimension_semantics = [#tpu.dimension_semantics<arbitrary>], iteration_bounds = array<i64: 10>, scalar_prefetch = 0 : i64, scratch_operands = 0 : i64, tpu.core_type = #tpu.core_type<tc>, window_params = [{transform_indices = @transform_0, window_bounds = array<i64: 1024, 128>}, {transform_indices = @transform_1, window_bounds = array<i64: 1024, 128>}, {transform_indices = @transform_2, window_bounds = array<i64: 1024, 128>}, {transform_indices = @transform_3, window_bounds = array<i64: 1024, 1>}, {pipeline_mode = #tpu.pipeline_mode<synchronous>, transform_indices = @transform_4, window_bounds = array<i64: 1, 128>}, {transform_indices = @transform_5, window_bounds = array<i64: 1024, 100>}]} {
    %get3A = arith.constant 0 : index
    %get3A_0 = arith.constant 0 : index
    %get3A_1 = vector.load %arg4[%get3A, %get3A_0] : memref<1024x1xf32, #tpu.memory_space<vmem>>, vector<1024x1xf32>
    %get3A_2 = arith.constant 0 : index
    %get3A_3 = arith.constant 0 : index
    %get3A_4 = vector.load %arg1[%get3A_2, %get3A_3] : memref<1024x128xf32, #tpu.memory_space<vmem>>, vector<1024x128xf32>
    %get3A_5 = arith.constant 0 : index
    %get3A_6 = arith.constant 0 : index
    %get3A_7 = vector.load %arg2[%get3A_5, %get3A_6] : memref<1024x128xf32, #tpu.memory_space<vmem>>, vector<1024x128xf32>
    %add3A = arith.addf %get3A_4, %get3A_7 : vector<1024x128xf32>
    %get3A_8 = arith.constant 0 : index
    %get3A_9 = arith.constant 0 : index
    %get3A_10 = vector.load %arg3[%get3A_8, %get3A_9] : memref<1024x128xf32, #tpu.memory_space<vmem>>, vector<1024x128xf32>
    %add3A_11 = arith.addf %add3A, %get3A_10 : vector<1024x128xf32>
    %mul3A = vector.broadcast %get3A_1 : vector<1024x1xf32> to vector<1024x128xf32>
    %mul3A_12 = arith.mulf %mul3A, %add3A_11 : vector<1024x128xf32>
    %get3A_13 = arith.constant 0 : index
    %get3A_14 = arith.constant 0 : index
    %get3A_15 = vector.load %arg5[%get3A_13, %get3A_14] : memref<1x128xf32, #tpu.memory_space<vmem>>, vector<1x128xf32>
    %add3A_16 = vector.broadcast %get3A_15 : vector<1x128xf32> to vector<1024x128xf32>
    %add3A_17 = arith.addf %mul3A_12, %add3A_16 : vector<1024x128xf32>
    %slice3A = vector.extract_strided_slice %add3A_17 {offsets = [0, 0], sizes = [1024, 100], strides = [1, 1]} : vector<1024x128xf32> to vector<1024x100xf32>
    %swap3A = arith.constant 0 : index
    %swap3A_18 = arith.constant 0 : index
    %swap3A_19 = vector.load %arg6[%swap3A, %swap3A_18] : memref<1024x100xf32, #tpu.memory_space<vmem>>, vector<1024x100xf32>
    tpu.vector_store %arg6[%swap3A, %swap3A_18], %slice3A {strides = array<i32>} : memref<1024x100xf32, #tpu.memory_space<vmem>>, vector<1024x100xf32>,
    return
  }
  func.func @transform_0(%arg0: i32) -> (i32, i32) {
    %c0_i32 = arith.constant 0 : i32
    %c0_i32_0 = arith.constant 0 : i32
    return %arg0, %c0_i32 : i32, i32
  }
  func.func @transform_1(%arg0: i32) -> (i32, i32) {
    %c0_i32 = arith.constant 0 : i32
    %c0_i32_0 = arith.constant 0 : i32
    return %arg0, %c0_i32 : i32, i32
  }
  func.func @transform_2(%arg0: i32) -> (i32, i32) {
    %c0_i32 = arith.constant 0 : i32
    %c0_i32_0 = arith.constant 0 : i32
    return %arg0, %c0_i32 : i32, i32
  }
  func.func @transform_3(%arg0: i32) -> (i32, i32) {
    %c0_i32 = arith.constant 0 : i32
    %c0_i32_0 = arith.constant 0 : i32
    return %arg0, %c0_i32 : i32, i32
  }
  func.func @transform_4(%arg0: i32) -> (i32, i32) {
    %c0_i32 = arith.constant 0 : i32
    %c0_i32_0 = arith.constant 0 : i32
    %c0_i32_1 = arith.constant 0 : i32
    return %c0_i32, %c0_i32_0 : i32, i32
  }
  func.func @transform_5(%arg0: i32) -> (i32, i32) {
    %c0_i32 = arith.constant 0 : i32
    %c0_i32_0 = arith.constant 0 : i32
    return %arg0, %c0_i32 : i32, i32
  }
}

</mosaic_0001>

<sc_bundles>
// kernel: kernel.11.cloned.1.call-start
scs
__scs_entry_jumppad:
0x0: {  	(pc) =	sbr.rel $0x88, $3  }
0x1: {  	(tag) =	ssettag $0x0;
	lr =	simm.s32 $0x1  }
0x2: {  	[smem:$0x3F9B] =	sst lr;
	_ =	strace $0xD0000000  }
0x3: {  	_ = 	snop  }
0x4: {  	_ = 	snop  }
0x5: {  	_ = 	snop  }
0x6: {  	_ = 	snop  }
0x7: {  	_ = 	snop  }
__scs_overlays_trampoline_lowered:
0x8: {  	[smem:$0x3FAA] =	sst s0  }
0x9: {  	[smem:$0x3FAB] =	sst s1  }
0xa: {  	[smem:$0x3FAC] =	sst s2  }
0xb: {  	[smem:$0x3FAD] =	sst s3  }
0xc: {  	[smem:$0x3FAE] =	sst s4  }
0xd: {  	[smem:$0x3FAF] =	sst s5  }
0xe: {  	[smem:$0x3FB0] =	sst s6  }
0xf: {  	[smem:$0x3FB1] =	sst s7  }
0x10: {  	[smem:$0x3FB2] =	sst s8  }
0x11: {  	[smem:$0x3FB3] =	sst s9;
	s0 =	simm.s32 @!p0 $0x0  }
0x12: {  	s1 =	sld [smem:$0x3F99];
	s0 =	simm.s32 @p0 $0x1  }
0x13: {  	[smem:$0x3FB4] =	sst s0;
	s0 =	simm.s32 @!p1 $0x0  }
0x14: {  	s2 =	sld [smem:$0x3F98];
	s0 =	simm.s32 @p1 $0x1  }
0x15: {  	[smem:$0x3FB5] =	sst s0;
	s0 =	simm.s32 @!p2 $0x0  }
0x16: {  	s3 =	sld [smem:$0x3FDB];
	s0 =	simm.s32 @p2 $0x1  }
0x17: {  	s4 =	simm.s32 $0x1BF5;
	[smem:$0x3FB7] =	sst s0  }
0x18: {  	s0 =	sld [smem:$0x3F9A];
	_ =	swait.ge [sflag:s4], $0x0  }
0x19: {  	s7 =	sld [smem:$0x3F9B]  }
0x1a: {  	s8 =	sadd.s32 $0xFFFFE003, lr  }
0x1b: {  	s9 =	sadd.s32 $0xFFFFFEF7, lr;
	s5 =	simm.s32 $0xFFFFFFFF;
	p2 =	slt.u32 s8, $0xFFFFF086  }
0x1c: {  	p1 =	slt.u32 s9, $0xF7A;
	s5 =	simm.s32 @!p2 $0x0  }
0x1d: {  	s5 =	simm.s32 @p1 $0x1;
	p0 =	seq.s32 s7, s2  }
0x1e: {  	s7 =	smul.u32 @!p0 $0xF7A, s2;
	p2 =	seq.s32 @!p0 s5, $0x0  }
0x1f: {  	s9 =	smul.u32 $0xF7A, s1;
	s8 =	simm.s32 @!p0 $0x1BF5;
	p2 =	por !p2, p0  }
0x20: {  	[sflag:s8] =	ssyncset.s32 @!p0 $0xFFFFF086;
	s6 =	sadd.s32 @!p0 s3, s7;
	s7 =	simm.s32 @!p0 $0x108  }
0x21: {  	s3 =	sadd.s32 s3, s9;
	s6 =	sadd.s32 @!p0 $0x88, s6;
	s7 =	simm.s32 @p2 $0x1082  }
0x22: {  	[simem:s7], [sflag:s8] =	dma.local @!p0 [hbm:s6], $0xF7A  }
0x23: {  	s9 =	sor.u32 $0xD0000000, s2;
	s6 =	simm.s32 $0x108;
	_ =	swait.ge @!p0 [sflag:s8], $0x0  }
0x24: {  	s3 =	sadd.s32 $0x88, s3;
	s6 =	simm.s32 @!p1 $0x1082;
	[sflag:s4] =	ssyncset.s32 $0xFFFFF086  }
0x25: {  	[simem:s6], [sflag:s4] =	dma.local [hbm:s3], $0xF7A  }
0x26: {  	[smem:$0x3F9B] =	sst s1;
	(tag) =	ssettag s2;
	_ =	strace s9  }
0x27: {  	s1 =	sld [smem:$0x3FAB]  }
0x28: {  	s2 =	sld [smem:$0x3FAC]  }
0x29: {  	s4 =	sld [smem:$0x3FAE]  }
0x2a: {  	p0 =	seq.s32 s5, $0x0;
	s5 =	sld [smem:$0x3FAF]  }
0x2b: {  	s6 =	sld [smem:$0x3FB0]  }
0x2c: {  	s7 =	sld [smem:$0x3FB1]  }
0x2d: {  	s3 =	simm.s32 $0x108;
	s8 =	sld [smem:$0x3FB2]  }
0x2e: {  	s3 =	simm.s32 @!p0 $0x1082;
	s9 =	sld [smem:$0x3FB3]  }
0x2f: {  	lr =	sadd.s32 s0, s3;
	s0 =	sld [smem:$0x3FAA]  }
0x30: {  	s3 =	sld [smem:$0x3FAD]  }
0x31: {  	[smem:$0x3FB6] =	sst s10  }
0x32: {  	s10 =	sld [smem:$0x3FB4];
	_ =	sdelay $0x3  }
0x33: {  	p0 =	seq.s32 s10, $0x1;
	s10 =	sld [smem:$0x3FB6];
	_ =	sdelay $0x3  }
0x34: {  	[smem:$0x3FB6] =	sst s10  }
0x35: {  	s10 =	sld [smem:$0x3FB5];
	_ =	sdelay $0x3  }
0x36: {  	p1 =	seq.s32 s10, $0x1;
	s10 =	sld [smem:$0x3FB6];
	_ =	sdelay $0x3  }
0x37: {  	[smem:$0x3FB6] =	sst s10  }
0x38: {  	s10 =	sld [smem:$0x3FB7]  }
0x39: {  	_ = 	snop;
	(pc) =	sbr.ind lr, $3  }
0x3a: {  	_ = 	snop  }
0x3b: {  	_ = 	snop  }
0x3c: {  	p2 =	seq.s32 s10, $0x1;
	s10 =	sld [smem:$0x3FB6]  }
0x3d: {  	_ =	shalt  }
0x3e: {  	_ =	shalt  }
0x3f: {  	_ =	shalt  }
0x40: {  	_ =	shalt  }
0x41: {  	_ =	shalt  }
0x42: {  	_ =	shalt  }
0x43: {  	_ =	shalt  }
0x44: {  	_ =	shalt  }
0x45: {  	_ =	shalt  }
0x46: {  	_ =	shalt  }
0x47: {  	_ =	shalt  }
0x48: {  	_ =	shalt  }
0x49: {  	_ =	shalt  }
0x4a: {  	_ =	shalt  }
0x4b: {  	_ =	shalt  }
0x4c: {  	_ =	shalt  }
0x4d: {  	_ =	shalt  }
0x4e: {  	_ =	shalt  }
0x4f: {  	_ =	shalt  }
0x50: {  	_ =	shalt  }
0x51: {  	_ =	shalt  }
0x52: {  	_ =	shalt  }
0x53: {  	_ =	shalt  }
0x54: {  	_ =	shalt  }
0x55: {  	_ =	shalt  }
0x56: {  	_ =	shalt  }
0x57: {  	_ =	shalt  }
0x58: {  	_ =	shalt  }
0x59: {  	_ =	shalt  }
0x5a: {  	_ =	shalt  }
0x5b: {  	_ =	shalt  }
0x5c: {  	_ =	shalt  }
0x5d: {  	_ =	shalt  }
0x5e: {  	_ =	shalt  }
0x5f: {  	_ =	shalt  }
0x60: {  	_ =	shalt  }
0x61: {  	_ =	shalt  }
0x62: {  	_ =	shalt  }
0x63: {  	_ =	shalt  }
0x64: {  	_ =	shalt  }
0x65: {  	_ =	shalt  }
0x66: {  	_ =	shalt  }
0x67: {  	_ =	shalt  }
0x68: {  	_ =	shalt  }
0x69: {  	_ =	shalt  }
0x6a: {  	_ =	shalt  }
0x6b: {  	_ =	shalt  }
0x6c: {  	_ =	shalt  }
0x6d: {  	_ =	shalt  }
0x6e: {  	_ =	shalt  }
0x6f: {  	_ =	shalt  }
0x70: {  	_ =	shalt  }
0x71: {  	_ =	shalt  }
0x72: {  	_ =	shalt  }
0x73: {  	_ =	shalt  }
0x74: {  	_ =	shalt  }
0x75: {  	_ =	shalt  }
0x76: {  	_ =	shalt  }
0x77: {  	_ =	shalt  }
0x78: {  	_ =	shalt  }
0x79: {  	_ =	shalt  }
0x7a: {  	_ =	shalt  }
0x7b: {  	_ =	shalt  }
0x7c: {  	_ =	shalt  }
0x7d: {  	_ =	shalt  }
0x7e: {  	_ =	shalt  }
0x7f: {  	_ =	shalt  }
0x80: {  	_ =	shalt  }
0x81: {  	_ =	shalt  }
0x82: {  	_ =	shalt  }
0x83: {  	_ =	shalt  }
0x84: {  	_ =	shalt  }
0x85: {  	_ =	shalt  }
0x86: {  	_ =	shalt  }
0x87: {  	_ =	shalt  }
.Lfunc_end0:
.L_simem_size_0:
called_computation.1_lowered:
.L_overlay_start_0:
0x88: {  	s2 =	sld [smem:$0x3FD9]  }
0x89: {  	s3 =	sld [smem:$0x3FFE];
	_ =	sdelay $0x1  }
0x8a: {  	s1 =	srdreg.scid  }
0x8b: {  	s0 =	sand.u32 $0x1, s1  }
0x8c: {  	s17 =	sshll.u32 s0, $0xA;
	s2 =	sadd.s32 s3, s2  }
0x8d: {  	s2 =	sadd.s32 s2, s17  }
0x8e: {  	[smem:$0x3FC2] =	sst s2  }
0x8f: {  	_ = 	snop  }
0x90: {  	s2 =	sld [smem:$0x3FD0];
	(tm) =	ssettm $0x1  }
0x91: {  	s18 =	sld [smem:$0x3FFB];
	_ =	sdelay $0x3  }
0x92: {  	_ =	strace s18  }
0x93: {  	s3 =	sld [smem:$0x3FFC];
	_ =	sdelay $0x3  }
0x94: {  	_ =	strace s3  }
0x95: {  	s3 =	sld [smem:$0x3FFD];
	_ =	sdelay $0x3  }
0x96: {  	_ =	strace s3  }
0x97: {  	_ =	strace $0x8FFFFFFF  }
0x98: {  	s19 =	sld [smem:$0x3FDB];
	_ =	sdelay $0x1  }
0x99: {  	s4 =	simm.s32 $_scs_section_size  }
0x9a: {  	s5 =	simm.s32 $_size__tile_overlayer_lowered;
	s6 =	simm.s32 $_tile_overlayer_lowered  }
0x9b: {  	s22 =	simm.s32 $0x1BFF;
	s21 =	sshll.u32 s6, $0x1;
	s3 =	sadd.s32 s4, s19  }
0x9c: {  	s7 =	simm.s32 $0x0;
	s20 =	sshll.u32 s5, $0x1;
	s5 =	sadd.s32 s21, s3  }
0x9d: {  	[timem:s7], [sflag:s22] =	dma.local [hbm:s5], s20  }
0x9e: {  	_ =	swait.ge [sflag:s22], s20  }
0x9f: {  	s4 =	ssub.s32 $0x0, s20;
	[sflag:s22] =	ssyncset.done $0x0  }
0xa0: {  	[sflag:s22] =	ssyncadd.s32 s4;
	_ =	sdelay $0x1  }
0xa1: {  	s23 =	simm.s32 $0x1B8B  }
0xa2: {  	_ =	swait.ge [sflag:s23], $0x1  }
0xa3: {  	[sflag:s23] =	ssyncset.done $0x0  }
0xa4: {  	s25 =	simm.s32 $0x1B8E;
	s24 =	sld [smem:$0x3FFE];
	[sflag:s23] =	ssyncadd.s32 $0xFFFFFFFF  }
0xa5: {  	s26 =	simm.s32 $execute0_lowered;
	[smem:$0x3FD2] =	sst s25  }
0xa6: {  	s5 =	sshll.u32 s26, $0x1;
	_ =	strace $0x80000049;
	[dreg:$0x1] =	wrdreg $0xFFFFFFFF  }
0xa7: {  	s28 =	simm.s32 $_size_execute0_lowered;
	s3 =	sadd.s32 s3, s5;
	[dreg:$0x0] =	wrdreg $0x0  }
0xa8: {  	s5 =	sshll.u32 s28, $0x1;
	[dreg:$0x2] =	wrdreg s3  }
0xa9: {  	[dreg:$0x3] =	wrdreg s5  }
0xaa: {  	[dreg:$0x4] =	wrdreg $0xC0  }
0xab: {  	_ =	task [dreg:s7], $0x5FFFF  }
0xac: {  	[dreg:$0x1] =	wrdreg $0xFFFFFFFF  }
0xad: {  	[dreg:$0x0] =	wrdreg $0x60  }
0xae: {  	[dreg:$0x2] =	wrdreg s24  }
0xaf: {  	[dreg:$0x3] =	wrdreg s2  }
0xb0: {  	[dreg:$0x4] =	wrdreg $0x51000  }
0xb1: {  	[dreg:$0x5] =	wrdreg $0x9  }
0xb2: {  	_ =	task.clear_ibuf [dreg:s7], $0x6FFFF;
	_ =	strace $0x90000049  }
0xb3: {  	s29 =	simm.s32 $0x9;
	_ =	strace $0x8000004B  }
0xb4: {  	_ =	swait.ge [sflag:s29], $0x1  }
0xb5: {  	[sflag:s29] =	ssyncadd.s32 $0xFFFFFFFF  }
0xb6: {  	_ =	strace $0x9000004B  }
0xb7: {  	_ =	sfence  }
0xb8: {  	s30 =	sld [smem:$0x0];
	_ =	sdelay $0x2  }
0xb9: {  	s31 =	sshll.u32 s1, $0xD;
	s1 =	sshrl.u32 s1, $0x2  }
0xba: {  	s3 =	sand.u32 $0x4000, s31;
	s1 =	sadd.s32 s1, s30  }
0xbb: {  	s0 =	sor.u32 s3, s0;
	s1 =	sshll.u32 s1, $0x11  }
0xbc: {  	s0 =	sor.u32 s1, s0  }
0xbd: {  	s0 =	sadd.s32 $0x8F2B, s0  }
0xbe: {  	[sflag:s0] =	ssyncadd.remote.s32 $0x1  }
0xbf: {  	_ =	sfence.sel $0xFFFF  }
0xc0: {  	[dreg:$0x0] =	wrdreg $0xFFFFFFFF;
	(pc) =	sbr.abs _section_cstart, $3  }
0xc1: {  	[dreg:$0x1] =	wrdreg $0xFFFFFFFF  }
0xc2: {  	_ =	task.clear_ibuf [dreg:s7], $0x2FFFF;
	_ =	strace $0x9FFFFFFF  }
0xc3: {  	(tm) =	ssettm $0x7FFFFFFF  }
tec
execute0_lowered:
.L_overlay_start_1:
0x0: {  	(tag) =	ssettag $0x1  }
0x1: {  	s5 =	rddreg [dreg:$0x0]  }
0x2: {  	s15 =	rddreg [dreg:$0x1];
	s0 =	srdreg.scid  }
0x3: {  	s2 =	rddreg [dreg:$0x2];
	s1 =	stileid.u32  }
0x4: {  	s3 =	simm.s32 $0x0;
	s18 =	simm.s32 $0x80;
	s7 =	smul.u32 $0x2710, s1  }
0x5: {  	s19 =	simm.s32 $0x50;
	s20 =	simm.s32 $0x100;
	s8 =	smul.u32 $0x50000, s1  }
0x6: {  	s6 =	sand.u32 $0x1, s0;
	s0 =	rddreg [dreg:$0x3];
	s23 =	smul.u32 $0x2800, s1  }
0x7: {  	s21 =	simm.s32 $0x1;
	[smem:$0x7FF] =	sst s3;
	s4 =	smul.u32 $0x27100, s6  }
0x8: {  	_ =	strace $0x8000004A;
	s30 =	smul.u32 $0x28000, s6;
	s6 =	ssub.s32 $0x2, s6  }
0x9: {  	s8 =	sshrl.u32 s8, $0x2;
	s31 =	sshrl.u32 s6, $0x1;
	s7 =	sadd.s32 s7, s4  }
0xa: {  	s4 =	sadd.s32 $0xD000, s5;
	s13 =	sadd.s32 s30, s5;
	s17 =	ssub.s32 s6, s31  }
0xb: {  	s16 =	sshrl.u32 s7, $0x3;
	s22 =	sadd.s32 $0x5D000, s13;
	s13 =	smax.u32 s17, $0x1  }
0xc: {  	s17 =	simm.s32 $0x2;
	s14 =	sadd.s32 s16, s5;
	s5 =	sadd.s32 s8, s2  }
0xd: {  	s15 =	sadd.s32 s16, s15;
	s16 =	simm.s32 $0x2900;
	s22 =	sadd.s32 s23, s22  }
0xe: {  	s23 =	simm.s32 $0x0;
	s6 =	sadd.s32 $0x2800, s5;
	s7 =	sadd.s32 $0x5000, s5  }
0xf: {  	s8 =	sadd.s32 $0x7800, s5;
	s9 =	sadd.s32 $0xA000, s5;
	s10 =	sadd.s32 $0xC800, s5  }
0x10: {  	v0 =	vimm.f32 $0.0e+00;
	s11 =	sadd.s32 $0xF000, s5;
	s12 =	sadd.s32 $0x11800, s5;
	s14 =	sadd.s32 $0x3200, s14  }
.LBB2_1:
0x11: {  	s24 =	simm.s32 $0x0;
	s25 =	simm.s32 $0x200  }
.LBB2_2:
0x12: {  	p0 =	sne.s32 s25, $0x9E00;
	[tilespmem:s24+$0x2970] =	vst v0  }
0x13: {  	[tilespmem:s24+$0x2900] =	vst v0  }
0x14: {  	[tilespmem:s24+$0x2910] =	vst v0  }
.Ltmp0:
0x15: {  	[tilespmem:s24+$0x2920] =	vst v0;
	(pc) =	sbr.rel @p0 .LBB2_2-.Ltmp0, $4  }
0x16: {  	[tilespmem:s24+$0x2930] =	vst v0  }
0x17: {  	[tilespmem:s24+$0x2940] =	vst v0  }
0x18: {  	[tilespmem:s24+$0x2950] =	vst v0  }
0x19: {  	[tilespmem:s24+$0x2960] =	vst v0;
	s24 =	sshra.s32 s25, $0x2;
	s25 =	sadd.s32 $0x200, s25  }
0x1a: {  	[tilespmem:s24+$0x2970] =	vst v0  }
0x1b: {  	[tilespmem:s24+$0x2900] =	vst v0  }
0x1c: {  	[tilespmem:s24+$0x2910] =	vst v0  }
0x1d: {  	[tilespmem:s24+$0x2920] =	vst v0  }
0x1e: {  	[tilespmem:s24+$0x2930] =	vst v0  }
0x1f: {  	[tilespmem:s24+$0x2940] =	vst v0  }
0x20: {  	[tilespmem:s24+$0x2950] =	vst v0  }
0x21: {  	[tilespmem:s24+$0x2960] =	vst v0  }
0x22: {  	[spmem:s5] =	stream.linear.scatter [tilespmem:s16], [sflag:$0x2], $0x2800, $0x38;
	[tilespmem:$0x19100] =	vst v63  }
0x23: {  	_ =	swait.ge [sflag:s17], $0x2800  }
0x24: {  	[sflag:s17] =	ssyncset.done $0x0  }
0x25: {  	[sflag:s17] =	ssyncadd.s32 $0xFFFFD800  }
0x26: {  	[spmem:s6] =	stream.linear.scatter [tilespmem:s16], [sflag:$0x2], $0x2800, $0x38;
	[tilespmem:$0x19100] =	vst v63  }
0x27: {  	_ =	swait.ge [sflag:s17], $0x2800  }
0x28: {  	[sflag:s17] =	ssyncset.done $0x0  }
0x29: {  	[sflag:s17] =	ssyncadd.s32 $0xFFFFD800  }
0x2a: {  	[spmem:s7] =	stream.linear.scatter [tilespmem:s16], [sflag:$0x2], $0x2800, $0x38;
	[tilespmem:$0x19100] =	vst v63  }
0x2b: {  	_ =	swait.ge [sflag:s17], $0x2800  }
0x2c: {  	[sflag:s17] =	ssyncset.done $0x0  }
0x2d: {  	[sflag:s17] =	ssyncadd.s32 $0xFFFFD800  }
0x2e: {  	[spmem:s8] =	stream.linear.scatter [tilespmem:s16], [sflag:$0x2], $0x2800, $0x38;
	[tilespmem:$0x19100] =	vst v63  }
0x2f: {  	_ =	swait.ge [sflag:s17], $0x2800  }
0x30: {  	[sflag:s17] =	ssyncset.done $0x0  }
0x31: {  	[sflag:s17] =	ssyncadd.s32 $0xFFFFD800  }
0x32: {  	[spmem:s9] =	stream.linear.scatter [tilespmem:s16], [sflag:$0x2], $0x2800, $0x38;
	[tilespmem:$0x19100] =	vst v63  }
0x33: {  	_ =	swait.ge [sflag:s17], $0x2800  }
0x34: {  	[sflag:s17] =	ssyncset.done $0x0  }
0x35: {  	[sflag:s17] =	ssyncadd.s32 $0xFFFFD800  }
0x36: {  	[spmem:s10] =	stream.linear.scatter [tilespmem:s16], [sflag:$0x2], $0x2800, $0x38;
	[tilespmem:$0x19100] =	vst v63  }
0x37: {  	_ =	swait.ge [sflag:s17], $0x2800  }
0x38: {  	[sflag:s17] =	ssyncset.done $0x0  }
0x39: {  	[sflag:s17] =	ssyncadd.s32 $0xFFFFD800  }
0x3a: {  	[spmem:s11] =	stream.linear.scatter [tilespmem:s16], [sflag:$0x2], $0x2800, $0x38;
	[tilespmem:$0x19100] =	vst v63  }
0x3b: {  	_ =	swait.ge [sflag:s17], $0x2800  }
0x3c: {  	[sflag:s17] =	ssyncset.done $0x0  }
0x3d: {  	[sflag:s17] =	ssyncadd.s32 $0xFFFFD800  }
0x3e: {  	[spmem:s12] =	stream.linear.scatter [tilespmem:s16], [sflag:$0x2], $0x2800, $0x38;
	[tilespmem:$0x19100] =	vst v63  }
0x3f: {  	_ =	swait.ge [sflag:s17], $0x2800  }
0x40: {  	[sflag:s17] =	ssyncset.done $0x0  }
0x41: {  	[sflag:s17] =	ssyncadd.s32 $0xFFFFD800  }
0x42: {  	s30 =	sadd.s32 $0x0, s15;
	[bflag:$0x0] =	sbarrier.arrive $0xFFFF  }
0x43: {  	[tilespmem:s3], [sflag:$0x2] =	stream.linear.gather [hbm4b:s30+s3], $0x50, $0x38;
	[tilespmem:$0x19100] =	vst v63  }
0x44: {  	_ =	swait.ge [sflag:s17], $0x50  }
0x45: {  	[sflag:s17] =	ssyncset.done $0x0  }
0x46: {  	s31 =	sadd.s32 $0x0, s14;
	[sflag:s17] =	ssyncadd.s32 $0xFFFFFFB0  }
0x47: {  	[tilespmem:s18], [sflag:$0x2] =	stream.linear.gather [hbm4b:s31+s3], $0x50, $0x38;
	[tilespmem:$0x19100] =	vst v63  }
0x48: {  	_ =	swait.ge [sflag:s17], $0x50  }
0x49: {  	[sflag:s17] =	ssyncset.done $0x0  }
0x4a: {  	[sflag:s17] =	ssyncadd.s32 $0xFFFFFFB0  }
0x4b: {  	[tilespmem:s20], [sflag:$0x1] =	stream.indirect.gather [hbm4b:s4+s19], $0x80, s3, s19, $0xb8;
	[tilespmem:$0x19100] =	vst v63  }
0x4c: {  	_ =	swait.ge [sflag:s21], $0x2800  }
0x4d: {  	[sflag:s21] =	ssyncset.done $0x0  }
0x4e: {  	[sflag:s21] =	ssyncadd.s32 $0xFFFFD800  }
0x4f: {  	[spmem:s2] =	stream.indirect.scatter.add.f32 [tilespmem:s20], [sflag:$0x2], $0x80, s18, s19, $0xb8;
	[tilespmem:$0x19100] =	vst v63  }
0x50: {  	_ =	swait.ge [sflag:s17], $0x2800  }
0x51: {  	s24 =	simm.s32 $0xA;
	s25 =	simm.s32 $0x14;
	[sflag:s17] =	ssyncset.done $0x0  }
.LBB2_4:
0x52: {  	s26 =	sadd.s32 s24, s15  }
0x53: {  	[sflag:s17] =	ssyncadd.s32 $0xFFFFD800;
	s28 =	smov.u32 s25;
	s29 =	sadd.s32 $0xA, s25  }
0x54: {  	[tilespmem:s3], [sflag:$0x2] =	stream.linear.gather [hbm4b:s26+s3], $0x50, $0x38;
	[tilespmem:$0x19100] =	vst v63  }
0x55: {  	p0 =	sne.s32 s25, $0x4D8;
	_ =	swait.ge [sflag:s17], $0x50  }
0x56: {  	[sflag:s17] =	ssyncset.done $0x0  }
0x57: {  	s25 =	sadd.s32 s24, s14;
	s24 =	smov.u32 s28;
	[sflag:s17] =	ssyncadd.s32 $0xFFFFFFB0  }
0x58: {  	[tilespmem:s18], [sflag:$0x2] =	stream.linear.gather [hbm4b:s25+s3], $0x50, $0x38;
	[tilespmem:$0x19100] =	vst v63  }
0x59: {  	_ =	swait.ge [sflag:s17], $0x50  }
0x5a: {  	[sflag:s17] =	ssyncset.done $0x0  }
0x5b: {  	[sflag:s17] =	ssyncadd.s32 $0xFFFFFFB0  }
0x5c: {  	[tilespmem:s20], [sflag:$0x1] =	stream.indirect.gather [hbm4b:s4+s19], $0x80, s3, s19, $0xb8;
	[tilespmem:$0x19100] =	vst v63  }
0x5d: {  	_ =	swait.ge [sflag:s21], $0x2800  }
.Ltmp1:
0x5e: {  	[sflag:s21] =	ssyncset.done $0x0;
	(pc) =	sbr.rel @p0 .LBB2_4-.Ltmp1, $4  }
0x5f: {  	[sflag:s21] =	ssyncadd.s32 $0xFFFFD800  }
0x60: {  	[spmem:s2] =	stream.indirect.scatter.add.f32 [tilespmem:s20], [sflag:$0x2], $0x80, s18, s19, $0xb8;
	[tilespmem:$0x19100] =	vst v63  }
0x61: {  	_ =	swait.ge [sflag:s17], $0x2800  }
0x62: {  	s25 =	smov.u32 s29;
	[sflag:s17] =	ssyncset.done $0x0  }
0x63: {  	s25 =	sadd.s32 s24, s15;
	[sflag:s17] =	ssyncadd.s32 $0xFFFFD800  }
0x64: {  	[tilespmem:s3], [sflag:$0x2] =	stream.linear.gather [hbm4b:s25+s3], $0x50, $0x38;
	[tilespmem:$0x19100] =	vst v63  }
0x65: {  	_ =	swait.ge [sflag:s17], $0x50  }
0x66: {  	[sflag:s17] =	ssyncset.done $0x0  }
0x67: {  	s29 =	sadd.s32 s24, s14;
	[sflag:s17] =	ssyncadd.s32 $0xFFFFFFB0  }
0x68: {  	[tilespmem:s18], [sflag:$0x2] =	stream.linear.gather [hbm4b:s29+s3], $0x50, $0x38;
	[tilespmem:$0x19100] =	vst v63  }
0x69: {  	_ =	swait.ge [sflag:s17], $0x50  }
0x6a: {  	[sflag:s17] =	ssyncset.done $0x0  }
0x6b: {  	[sflag:s17] =	ssyncadd.s32 $0xFFFFFFB0  }
0x6c: {  	[tilespmem:s20], [sflag:$0x1] =	stream.indirect.gather [hbm4b:s4+s19], $0x80, s3, s19, $0xb8;
	[tilespmem:$0x19100] =	vst v63  }
0x6d: {  	_ =	swait.ge [sflag:s21], $0x2800  }
0x6e: {  	[sflag:s21] =	ssyncset.done $0x0  }
0x6f: {  	[sflag:s21] =	ssyncadd.s32 $0xFFFFD800  }
0x70: {  	[spmem:s2] =	stream.indirect.scatter.add.f32 [tilespmem:s20], [sflag:$0x2], $0x80, s18, s19, $0xb8;
	[tilespmem:$0x19100] =	vst v63  }
0x71: {  	_ =	swait.ge [sflag:s17], $0x2800  }
0x72: {  	s30 =	sshll.u32 s1, $0x6;
	s23 =	sadd.s32 $0x1, s23;
	[sflag:s17] =	ssyncset.done $0x0  }
0x73: {  	s31 =	sshrl.u32 s5, $0x3;
	p0 =	sne.s32 s23, s13;
	[sflag:s17] =	ssyncadd.s32 $0xFFFFD800  }
.Ltmp2:
0x74: {  	s24 =	sor.u32 $0x1C02, s30;
	[bflag:$0x0] =	sbarrier.arrive $0xFFFF;
	(pc) =	sbr.rel @p0 .LBB2_1-.Ltmp2, $4  }
0x75: {  	[hbm:s22], [sflag:s24] =	dma.local [spmem:s31], $0x2800  }
0x76: {  	_ =	swait.ge [sflag:s17], $0x2800  }
0x77: {  	[sflag:s17] =	ssyncset.done $0x0  }
0x78: {  	[sflag:s17] =	ssyncadd.s32 $0xFFFFD800  }
0x79: {  	_ =	sfence.sel $0x180000  }
0x7a: {  	[bflag:$0x0] =	sbarrier.arrive $0xFFFF  }
0x7b: {  	p0 =	sne.s32 s1, $0x0;
	_ =	strace $0x9000004A  }
0x7c: {  	s0 =	sadd.s32 @!p0 $0x100000, s0;
	[bflag:$0x2] =	sbarrier.arrive $0xFFFF  }
0x7d: {  	[sflag:s0] =	ssyncadd.tile.s32 @!p0 $0x1;
	_ =	shalt  }
.Lfunc_end2:
_tile_overlayer_lowered:
.L_overlay_start_2:
0x7e: {  	(tag) =	ssettag $0x2  }
0x7f: {  	s0 =	rddreg [dreg:$0x0];
	s2 =	stileid.u32  }
0x80: {  	s1 =	rddreg [dreg:$0x1];
	p0 =	sne.s32 s2, $0x0  }
0x81: {  	s3 =	rddreg [dreg:$0x2];
	[bflag:$0x3] =	sbarrier.arrive $0xFFFF;
	s2 =	simm.s32 @!p0 $0x1C02  }
0x82: {  	[timem:s3], [sflag:s2] =	dma.local @!p0 [hbm:s0], s1  }
0x83: {  	s0 =	simm.s32 @!p0 $0x2  }
0x84: {  	_ =	swait.ge @!p0 [sflag:s0], s1  }
0x85: {  	s1 =	ssub.s32 @!p0 $0x0, s1;
	[sflag:s0] =	ssyncset.done @!p0 $0x0  }
0x86: {  	[sflag:s0] =	ssyncadd.s32 @!p0 s1  }
0x87: {  	[bflag:$0x3] =	sbarrier.arrive $0xFFFF  }
0x88: {  	_ =	shalt  }

// kernel: kernel.14.cloned.1.call-start
scs
__scs_entry_jumppad:
0x0: {  	(pc) =	sbr.rel $0x88, $3  }
0x1: {  	(tag) =	ssettag $0x0;
	lr =	simm.s32 $0x1  }
0x2: {  	[smem:$0x3F9B] =	sst lr;
	_ =	strace $0xD0000000  }
0x3: {  	_ = 	snop  }
0x4: {  	_ = 	snop  }
0x5: {  	_ = 	snop  }
0x6: {  	_ = 	snop  }
0x7: {  	_ = 	snop  }
__scs_overlays_trampoline_lowered:
0x8: {  	[smem:$0x3FAA] =	sst s0  }
0x9: {  	[smem:$0x3FAB] =	sst s1  }
0xa: {  	[smem:$0x3FAC] =	sst s2  }
0xb: {  	[smem:$0x3FAD] =	sst s3  }
0xc: {  	[smem:$0x3FAE] =	sst s4  }
0xd: {  	[smem:$0x3FAF] =	sst s5  }
0xe: {  	[smem:$0x3FB0] =	sst s6  }
0xf: {  	[smem:$0x3FB1] =	sst s7  }
0x10: {  	[smem:$0x3FB2] =	sst s8  }
0x11: {  	[smem:$0x3FB3] =	sst s9;
	s0 =	simm.s32 @!p0 $0x0  }
0x12: {  	s1 =	sld [smem:$0x3F99];
	s0 =	simm.s32 @p0 $0x1  }
0x13: {  	[smem:$0x3FB4] =	sst s0;
	s0 =	simm.s32 @!p1 $0x0  }
0x14: {  	s2 =	sld [smem:$0x3F98];
	s0 =	simm.s32 @p1 $0x1  }
0x15: {  	[smem:$0x3FB5] =	sst s0;
	s0 =	simm.s32 @!p2 $0x0  }
0x16: {  	s3 =	sld [smem:$0x3FDB];
	s0 =	simm.s32 @p2 $0x1  }
0x17: {  	s4 =	simm.s32 $0x1BF5;
	[smem:$0x3FB7] =	sst s0  }
0x18: {  	s0 =	sld [smem:$0x3F9A];
	_ =	swait.ge [sflag:s4], $0x0  }
0x19: {  	s7 =	sld [smem:$0x3F9B]  }
0x1a: {  	s8 =	sadd.s32 $0xFFFFE003, lr  }
0x1b: {  	s9 =	sadd.s32 $0xFFFFFEF7, lr;
	s5 =	simm.s32 $0xFFFFFFFF;
	p2 =	slt.u32 s8, $0xFFFFF086  }
0x1c: {  	p1 =	slt.u32 s9, $0xF7A;
	s5 =	simm.s32 @!p2 $0x0  }
0x1d: {  	s5 =	simm.s32 @p1 $0x1;
	p0 =	seq.s32 s7, s2  }
0x1e: {  	s7 =	smul.u32 @!p0 $0xF7A, s2;
	p2 =	seq.s32 @!p0 s5, $0x0  }
0x1f: {  	s9 =	smul.u32 $0xF7A, s1;
	s8 =	simm.s32 @!p0 $0x1BF5;
	p2 =	por !p2, p0  }
0x20: {  	[sflag:s8] =	ssyncset.s32 @!p0 $0xFFFFF086;
	s6 =	sadd.s32 @!p0 s3, s7;
	s7 =	simm.s32 @!p0 $0x108  }
0x21: {  	s3 =	sadd.s32 s3, s9;
	s6 =	sadd.s32 @!p0 $0x88, s6;
	s7 =	simm.s32 @p2 $0x1082  }
0x22: {  	[simem:s7], [sflag:s8] =	dma.local @!p0 [hbm:s6], $0xF7A  }
0x23: {  	s9 =	sor.u32 $0xD0000000, s2;
	s6 =	simm.s32 $0x108;
	_ =	swait.ge @!p0 [sflag:s8], $0x0  }
0x24: {  	s3 =	sadd.s32 $0x88, s3;
	s6 =	simm.s32 @!p1 $0x1082;
	[sflag:s4] =	ssyncset.s32 $0xFFFFF086  }
0x25: {  	[simem:s6], [sflag:s4] =	dma.local [hbm:s3], $0xF7A  }
0x26: {  	[smem:$0x3F9B] =	sst s1;
	(tag) =	ssettag s2;
	_ =	strace s9  }
0x27: {  	s1 =	sld [smem:$0x3FAB]  }
0x28: {  	s2 =	sld [smem:$0x3FAC]  }
0x29: {  	s4 =	sld [smem:$0x3FAE]  }
0x2a: {  	p0 =	seq.s32 s5, $0x0;
	s5 =	sld [smem:$0x3FAF]  }
0x2b: {  	s6 =	sld [smem:$0x3FB0]  }
0x2c: {  	s7 =	sld [smem:$0x3FB1]  }
0x2d: {  	s3 =	simm.s32 $0x108;
	s8 =	sld [smem:$0x3FB2]  }
0x2e: {  	s3 =	simm.s32 @!p0 $0x1082;
	s9 =	sld [smem:$0x3FB3]  }
0x2f: {  	lr =	sadd.s32 s0, s3;
	s0 =	sld [smem:$0x3FAA]  }
0x30: {  	s3 =	sld [smem:$0x3FAD]  }
0x31: {  	[smem:$0x3FB6] =	sst s10  }
0x32: {  	s10 =	sld [smem:$0x3FB4];
	_ =	sdelay $0x3  }
0x33: {  	p0 =	seq.s32 s10, $0x1;
	s10 =	sld [smem:$0x3FB6];
	_ =	sdelay $0x3  }
0x34: {  	[smem:$0x3FB6] =	sst s10  }
0x35: {  	s10 =	sld [smem:$0x3FB5];
	_ =	sdelay $0x3  }
0x36: {  	p1 =	seq.s32 s10, $0x1;
	s10 =	sld [smem:$0x3FB6];
	_ =	sdelay $0x3  }
0x37: {  	[smem:$0x3FB6] =	sst s10  }
0x38: {  	s10 =	sld [smem:$0x3FB7]  }
0x39: {  	_ = 	snop;
	(pc) =	sbr.ind lr, $3  }
0x3a: {  	_ = 	snop  }
0x3b: {  	_ = 	snop  }
0x3c: {  	p2 =	seq.s32 s10, $0x1;
	s10 =	sld [smem:$0x3FB6]  }
0x3d: {  	_ =	shalt  }
0x3e: {  	_ =	shalt  }
0x3f: {  	_ =	shalt  }
0x40: {  	_ =	shalt  }
0x41: {  	_ =	shalt  }
0x42: {  	_ =	shalt  }
0x43: {  	_ =	shalt  }
0x44: {  	_ =	shalt  }
0x45: {  	_ =	shalt  }
0x46: {  	_ =	shalt  }
0x47: {  	_ =	shalt  }
0x48: {  	_ =	shalt  }
0x49: {  	_ =	shalt  }
0x4a: {  	_ =	shalt  }
0x4b: {  	_ =	shalt  }
0x4c: {  	_ =	shalt  }
0x4d: {  	_ =	shalt  }
0x4e: {  	_ =	shalt  }
0x4f: {  	_ =	shalt  }
0x50: {  	_ =	shalt  }
0x51: {  	_ =	shalt  }
0x52: {  	_ =	shalt  }
0x53: {  	_ =	shalt  }
0x54: {  	_ =	shalt  }
0x55: {  	_ =	shalt  }
0x56: {  	_ =	shalt  }
0x57: {  	_ =	shalt  }
0x58: {  	_ =	shalt  }
0x59: {  	_ =	shalt  }
0x5a: {  	_ =	shalt  }
0x5b: {  	_ =	shalt  }
0x5c: {  	_ =	shalt  }
0x5d: {  	_ =	shalt  }
0x5e: {  	_ =	shalt  }
0x5f: {  	_ =	shalt  }
0x60: {  	_ =	shalt  }
0x61: {  	_ =	shalt  }
0x62: {  	_ =	shalt  }
0x63: {  	_ =	shalt  }
0x64: {  	_ =	shalt  }
0x65: {  	_ =	shalt  }
0x66: {  	_ =	shalt  }
0x67: {  	_ =	shalt  }
0x68: {  	_ =	shalt  }
0x69: {  	_ =	shalt  }
0x6a: {  	_ =	shalt  }
0x6b: {  	_ =	shalt  }
0x6c: {  	_ =	shalt  }
0x6d: {  	_ =	shalt  }
0x6e: {  	_ =	shalt  }
0x6f: {  	_ =	shalt  }
0x70: {  	_ =	shalt  }
0x71: {  	_ =	shalt  }
0x72: {  	_ =	shalt  }
0x73: {  	_ =	shalt  }
0x74: {  	_ =	shalt  }
0x75: {  	_ =	shalt  }
0x76: {  	_ =	shalt  }
0x77: {  	_ =	shalt  }
0x78: {  	_ =	shalt  }
0x79: {  	_ =	shalt  }
0x7a: {  	_ =	shalt  }
0x7b: {  	_ =	shalt  }
0x7c: {  	_ =	shalt  }
0x7d: {  	_ =	shalt  }
0x7e: {  	_ =	shalt  }
0x7f: {  	_ =	shalt  }
0x80: {  	_ =	shalt  }
0x81: {  	_ =	shalt  }
0x82: {  	_ =	shalt  }
0x83: {  	_ =	shalt  }
0x84: {  	_ =	shalt  }
0x85: {  	_ =	shalt  }
0x86: {  	_ =	shalt  }
0x87: {  	_ =	shalt  }
.Lfunc_end0:
.L_simem_size_0:
called_computation.2_lowered:
.L_overlay_start_0:
0x88: {  	s2 =	sld [smem:$0x3FD9]  }
0x89: {  	s3 =	sld [smem:$0x3FFE];
	_ =	sdelay $0x1  }
0x8a: {  	s1 =	srdreg.scid  }
0x8b: {  	s0 =	sand.u32 $0x1, s1  }
0x8c: {  	s17 =	sshll.u32 s0, $0xA;
	s2 =	sadd.s32 s3, s2  }
0x8d: {  	s2 =	sadd.s32 s2, s17  }
0x8e: {  	[smem:$0x3FC2] =	sst s2  }
0x8f: {  	_ = 	snop  }
0x90: {  	s2 =	sld [smem:$0x3FD0];
	(tm) =	ssettm $0x1  }
0x91: {  	s18 =	sld [smem:$0x3FFB];
	_ =	sdelay $0x3  }
0x92: {  	_ =	strace s18  }
0x93: {  	s3 =	sld [smem:$0x3FFC];
	_ =	sdelay $0x3  }
0x94: {  	_ =	strace s3  }
0x95: {  	s3 =	sld [smem:$0x3FFD];
	_ =	sdelay $0x3  }
0x96: {  	_ =	strace s3  }
0x97: {  	_ =	strace $0x8FFFFFFF  }
0x98: {  	s19 =	sld [smem:$0x3FDB];
	_ =	sdelay $0x1  }
0x99: {  	s4 =	simm.s32 $_scs_section_size  }
0x9a: {  	s5 =	simm.s32 $_size__tile_overlayer_lowered;
	s6 =	simm.s32 $_tile_overlayer_lowered  }
0x9b: {  	s22 =	simm.s32 $0x1BFF;
	s21 =	sshll.u32 s6, $0x1;
	s3 =	sadd.s32 s4, s19  }
0x9c: {  	s7 =	simm.s32 $0x0;
	s20 =	sshll.u32 s5, $0x1;
	s5 =	sadd.s32 s21, s3  }
0x9d: {  	[timem:s7], [sflag:s22] =	dma.local [hbm:s5], s20  }
0x9e: {  	_ =	swait.ge [sflag:s22], s20  }
0x9f: {  	s4 =	ssub.s32 $0x0, s20;
	[sflag:s22] =	ssyncset.done $0x0  }
0xa0: {  	[sflag:s22] =	ssyncadd.s32 s4;
	_ =	sdelay $0x1  }
0xa1: {  	s23 =	simm.s32 $0x1B8B  }
0xa2: {  	_ =	swait.ge [sflag:s23], $0x1  }
0xa3: {  	[sflag:s23] =	ssyncset.done $0x0  }
0xa4: {  	s25 =	simm.s32 $0x1B8E;
	s24 =	sld [smem:$0x3FFE];
	[sflag:s23] =	ssyncadd.s32 $0xFFFFFFFF  }
0xa5: {  	s26 =	simm.s32 $execute0_lowered;
	[smem:$0x3FD2] =	sst s25  }
0xa6: {  	s5 =	sshll.u32 s26, $0x1;
	_ =	strace $0x8000004C;
	[dreg:$0x1] =	wrdreg $0xFFFFFFFF  }
0xa7: {  	s28 =	simm.s32 $_size_execute0_lowered;
	s3 =	sadd.s32 s3, s5;
	[dreg:$0x0] =	wrdreg $0x0  }
0xa8: {  	s5 =	sshll.u32 s28, $0x1;
	[dreg:$0x2] =	wrdreg s3  }
0xa9: {  	[dreg:$0x3] =	wrdreg s5  }
0xaa: {  	[dreg:$0x4] =	wrdreg $0xC0  }
0xab: {  	_ =	task [dreg:s7], $0x5FFFF  }
0xac: {  	[dreg:$0x1] =	wrdreg $0xFFFFFFFF  }
0xad: {  	[dreg:$0x0] =	wrdreg $0x60  }
0xae: {  	[dreg:$0x2] =	wrdreg s24  }
0xaf: {  	[dreg:$0x3] =	wrdreg s2  }
0xb0: {  	[dreg:$0x4] =	wrdreg $0x51000  }
0xb1: {  	[dreg:$0x5] =	wrdreg $0x9  }
0xb2: {  	_ =	task.clear_ibuf [dreg:s7], $0x6FFFF;
	_ =	strace $0x9000004C  }
0xb3: {  	s29 =	simm.s32 $0x9;
	_ =	strace $0x8000004E  }
0xb4: {  	_ =	swait.ge [sflag:s29], $0x1  }
0xb5: {  	[sflag:s29] =	ssyncadd.s32 $0xFFFFFFFF  }
0xb6: {  	_ =	strace $0x9000004E  }
0xb7: {  	_ =	sfence  }
0xb8: {  	s30 =	sld [smem:$0x0];
	_ =	sdelay $0x2  }
0xb9: {  	s31 =	sshll.u32 s1, $0xD;
	s1 =	sshrl.u32 s1, $0x2  }
0xba: {  	s3 =	sand.u32 $0x4000, s31;
	s1 =	sadd.s32 s1, s30  }
0xbb: {  	s0 =	sor.u32 s3, s0;
	s1 =	sshll.u32 s1, $0x11  }
0xbc: {  	s0 =	sor.u32 s1, s0  }
0xbd: {  	s0 =	sadd.s32 $0x8F2B, s0  }
0xbe: {  	[sflag:s0] =	ssyncadd.remote.s32 $0x1  }
0xbf: {  	_ =	sfence.sel $0xFFFF  }
0xc0: {  	[dreg:$0x0] =	wrdreg $0xFFFFFFFF;
	(pc) =	sbr.abs _section_cstart, $3  }
0xc1: {  	[dreg:$0x1] =	wrdreg $0xFFFFFFFF  }
0xc2: {  	_ =	task.clear_ibuf [dreg:s7], $0x2FFFF;
	_ =	strace $0x9FFFFFFF  }
0xc3: {  	(tm) =	ssettm $0x7FFFFFFF  }
tec
execute0_lowered:
.L_overlay_start_1:
0x0: {  	(tag) =	ssettag $0x1  }
0x1: {  	s5 =	rddreg [dreg:$0x0]  }
0x2: {  	s15 =	rddreg [dreg:$0x1];
	s0 =	srdreg.scid  }
0x3: {  	s2 =	rddreg [dreg:$0x2];
	s1 =	stileid.u32  }
0x4: {  	s3 =	simm.s32 $0x0;
	s18 =	simm.s32 $0x80;
	s7 =	smul.u32 $0x2710, s1  }
0x5: {  	s19 =	simm.s32 $0x50;
	s20 =	simm.s32 $0x100;
	s8 =	smul.u32 $0x50000, s1  }
0x6: {  	s6 =	sand.u32 $0x1, s0;
	s0 =	rddreg [dreg:$0x3];
	s23 =	smul.u32 $0x2800, s1  }
0x7: {  	s21 =	simm.s32 $0x1;
	[smem:$0x7FF] =	sst s3;
	s4 =	smul.u32 $0x27100, s6  }
0x8: {  	_ =	strace $0x8000004D;
	s30 =	smul.u32 $0x28000, s6;
	s6 =	ssub.s32 $0x2, s6  }
0x9: {  	s8 =	sshrl.u32 s8, $0x2;
	s31 =	sshrl.u32 s6, $0x1;
	s7 =	sadd.s32 s7, s4  }
0xa: {  	s4 =	sadd.s32 $0xD000, s5;
	s13 =	sadd.s32 s30, s5;
	s17 =	ssub.s32 s6, s31  }
0xb: {  	s16 =	sshrl.u32 s7, $0x3;
	s22 =	sadd.s32 $0x5D000, s13;
	s13 =	smax.u32 s17, $0x1  }
0xc: {  	s17 =	simm.s32 $0x2;
	s14 =	sadd.s32 s16, s5;
	s5 =	sadd.s32 s8, s2  }
0xd: {  	s15 =	sadd.s32 s16, s15;
	s16 =	simm.s32 $0x2900;
	s22 =	sadd.s32 s23, s22  }
0xe: {  	s23 =	simm.s32 $0x0;
	s6 =	sadd.s32 $0x2800, s5;
	s7 =	sadd.s32 $0x5000, s5  }
0xf: {  	s8 =	sadd.s32 $0x7800, s5;
	s9 =	sadd.s32 $0xA000, s5;
	s10 =	sadd.s32 $0xC800, s5  }
0x10: {  	v0 =	vimm.f32 $0.0e+00;
	s11 =	sadd.s32 $0xF000, s5;
	s12 =	sadd.s32 $0x11800, s5;
	s14 =	sadd.s32 $0x3200, s14  }
.LBB2_1:
0x11: {  	s24 =	simm.s32 $0x0;
	s25 =	simm.s32 $0x200  }
.LBB2_2:
0x12: {  	p0 =	sne.s32 s25, $0x9E00;
	[tilespmem:s24+$0x2970] =	vst v0  }
0x13: {  	[tilespmem:s24+$0x2900] =	vst v0  }
0x14: {  	[tilespmem:s24+$0x2910] =	vst v0  }
.Ltmp0:
0x15: {  	[tilespmem:s24+$0x2920] =	vst v0;
	(pc) =	sbr.rel @p0 .LBB2_2-.Ltmp0, $4  }
0x16: {  	[tilespmem:s24+$0x2930] =	vst v0  }
0x17: {  	[tilespmem:s24+$0x2940] =	vst v0  }
0x18: {  	[tilespmem:s24+$0x2950] =	vst v0  }
0x19: {  	[tilespmem:s24+$0x2960] =	vst v0;
	s24 =	sshra.s32 s25, $0x2;
	s25 =	sadd.s32 $0x200, s25  }
0x1a: {  	[tilespmem:s24+$0x2970] =	vst v0  }
0x1b: {  	[tilespmem:s24+$0x2900] =	vst v0  }
0x1c: {  	[tilespmem:s24+$0x2910] =	vst v0  }
0x1d: {  	[tilespmem:s24+$0x2920] =	vst v0  }
0x1e: {  	[tilespmem:s24+$0x2930] =	vst v0  }
0x1f: {  	[tilespmem:s24+$0x2940] =	vst v0  }
0x20: {  	[tilespmem:s24+$0x2950] =	vst v0  }
0x21: {  	[tilespmem:s24+$0x2960] =	vst v0  }
0x22: {  	[spmem:s5] =	stream.linear.scatter [tilespmem:s16], [sflag:$0x2], $0x2800, $0x38;
	[tilespmem:$0x19100] =	vst v63  }
0x23: {  	_ =	swait.ge [sflag:s17], $0x2800  }
0x24: {  	[sflag:s17] =	ssyncset.done $0x0  }
0x25: {  	[sflag:s17] =	ssyncadd.s32 $0xFFFFD800  }
0x26: {  	[spmem:s6] =	stream.linear.scatter [tilespmem:s16], [sflag:$0x2], $0x2800, $0x38;
	[tilespmem:$0x19100] =	vst v63  }
0x27: {  	_ =	swait.ge [sflag:s17], $0x2800  }
0x28: {  	[sflag:s17] =	ssyncset.done $0x0  }
0x29: {  	[sflag:s17] =	ssyncadd.s32 $0xFFFFD800  }
0x2a: {  	[spmem:s7] =	stream.linear.scatter [tilespmem:s16], [sflag:$0x2], $0x2800, $0x38;
	[tilespmem:$0x19100] =	vst v63  }
0x2b: {  	_ =	swait.ge [sflag:s17], $0x2800  }
0x2c: {  	[sflag:s17] =	ssyncset.done $0x0  }
0x2d: {  	[sflag:s17] =	ssyncadd.s32 $0xFFFFD800  }
0x2e: {  	[spmem:s8] =	stream.linear.scatter [tilespmem:s16], [sflag:$0x2], $0x2800, $0x38;
	[tilespmem:$0x19100] =	vst v63  }
0x2f: {  	_ =	swait.ge [sflag:s17], $0x2800  }
0x30: {  	[sflag:s17] =	ssyncset.done $0x0  }
0x31: {  	[sflag:s17] =	ssyncadd.s32 $0xFFFFD800  }
0x32: {  	[spmem:s9] =	stream.linear.scatter [tilespmem:s16], [sflag:$0x2], $0x2800, $0x38;
	[tilespmem:$0x19100] =	vst v63  }
0x33: {  	_ =	swait.ge [sflag:s17], $0x2800  }
0x34: {  	[sflag:s17] =	ssyncset.done $0x0  }
0x35: {  	[sflag:s17] =	ssyncadd.s32 $0xFFFFD800  }
0x36: {  	[spmem:s10] =	stream.linear.scatter [tilespmem:s16], [sflag:$0x2], $0x2800, $0x38;
	[tilespmem:$0x19100] =	vst v63  }
0x37: {  	_ =	swait.ge [sflag:s17], $0x2800  }
0x38: {  	[sflag:s17] =	ssyncset.done $0x0  }
0x39: {  	[sflag:s17] =	ssyncadd.s32 $0xFFFFD800  }
0x3a: {  	[spmem:s11] =	stream.linear.scatter [tilespmem:s16], [sflag:$0x2], $0x2800, $0x38;
	[tilespmem:$0x19100] =	vst v63  }
0x3b: {  	_ =	swait.ge [sflag:s17], $0x2800  }
0x3c: {  	[sflag:s17] =	ssyncset.done $0x0  }
0x3d: {  	[sflag:s17] =	ssyncadd.s32 $0xFFFFD800  }
0x3e: {  	[spmem:s12] =	stream.linear.scatter [tilespmem:s16], [sflag:$0x2], $0x2800, $0x38;
	[tilespmem:$0x19100] =	vst v63  }
0x3f: {  	_ =	swait.ge [sflag:s17], $0x2800  }
0x40: {  	[sflag:s17] =	ssyncset.done $0x0  }
0x41: {  	[sflag:s17] =	ssyncadd.s32 $0xFFFFD800  }
0x42: {  	s30 =	sadd.s32 $0x0, s15;
	[bflag:$0x0] =	sbarrier.arrive $0xFFFF  }
0x43: {  	[tilespmem:s3], [sflag:$0x2] =	stream.linear.gather [hbm4b:s30+s3], $0x50, $0x38;
	[tilespmem:$0x19100] =	vst v63  }
0x44: {  	_ =	swait.ge [sflag:s17], $0x50  }
0x45: {  	[sflag:s17] =	ssyncset.done $0x0  }
0x46: {  	s31 =	sadd.s32 $0x0, s14;
	[sflag:s17] =	ssyncadd.s32 $0xFFFFFFB0  }
0x47: {  	[tilespmem:s18], [sflag:$0x2] =	stream.linear.gather [hbm4b:s31+s3], $0x50, $0x38;
	[tilespmem:$0x19100] =	vst v63  }
0x48: {  	_ =	swait.ge [sflag:s17], $0x50  }
0x49: {  	[sflag:s17] =	ssyncset.done $0x0  }
0x4a: {  	[sflag:s17] =	ssyncadd.s32 $0xFFFFFFB0  }
0x4b: {  	[tilespmem:s20], [sflag:$0x1] =	stream.indirect.gather [hbm4b:s4+s19], $0x80, s3, s19, $0xb8;
	[tilespmem:$0x19100] =	vst v63  }
0x4c: {  	_ =	swait.ge [sflag:s21], $0x2800  }
0x4d: {  	[sflag:s21] =	ssyncset.done $0x0  }
0x4e: {  	[sflag:s21] =	ssyncadd.s32 $0xFFFFD800  }
0x4f: {  	[spmem:s2] =	stream.indirect.scatter.add.f32 [tilespmem:s20], [sflag:$0x2], $0x80, s18, s19, $0xb8;
	[tilespmem:$0x19100] =	vst v63  }
0x50: {  	_ =	swait.ge [sflag:s17], $0x2800  }
0x51: {  	s24 =	simm.s32 $0xA;
	s25 =	simm.s32 $0x14;
	[sflag:s17] =	ssyncset.done $0x0  }
.LBB2_4:
0x52: {  	s26 =	sadd.s32 s24, s15  }
0x53: {  	[sflag:s17] =	ssyncadd.s32 $0xFFFFD800;
	s28 =	smov.u32 s25;
	s29 =	sadd.s32 $0xA, s25  }
0x54: {  	[tilespmem:s3], [sflag:$0x2] =	stream.linear.gather [hbm4b:s26+s3], $0x50, $0x38;
	[tilespmem:$0x19100] =	vst v63  }
0x55: {  	p0 =	sne.s32 s25, $0x4D8;
	_ =	swait.ge [sflag:s17], $0x50  }
0x56: {  	[sflag:s17] =	ssyncset.done $0x0  }
0x57: {  	s25 =	sadd.s32 s24, s14;
	s24 =	smov.u32 s28;
	[sflag:s17] =	ssyncadd.s32 $0xFFFFFFB0  }
0x58: {  	[tilespmem:s18], [sflag:$0x2] =	stream.linear.gather [hbm4b:s25+s3], $0x50, $0x38;
	[tilespmem:$0x19100] =	vst v63  }
0x59: {  	_ =	swait.ge [sflag:s17], $0x50  }
0x5a: {  	[sflag:s17] =	ssyncset.done $0x0  }
0x5b: {  	[sflag:s17] =	ssyncadd.s32 $0xFFFFFFB0  }
0x5c: {  	[tilespmem:s20], [sflag:$0x1] =	stream.indirect.gather [hbm4b:s4+s19], $0x80, s3, s19, $0xb8;
	[tilespmem:$0x19100] =	vst v63  }
0x5d: {  	_ =	swait.ge [sflag:s21], $0x2800  }
.Ltmp1:
0x5e: {  	[sflag:s21] =	ssyncset.done $0x0;
	(pc) =	sbr.rel @p0 .LBB2_4-.Ltmp1, $4  }
0x5f: {  	[sflag:s21] =	ssyncadd.s32 $0xFFFFD800  }
0x60: {  	[spmem:s2] =	stream.indirect.scatter.add.f32 [tilespmem:s20], [sflag:$0x2], $0x80, s18, s19, $0xb8;
	[tilespmem:$0x19100] =	vst v63  }
0x61: {  	_ =	swait.ge [sflag:s17], $0x2800  }
0x62: {  	s25 =	smov.u32 s29;
	[sflag:s17] =	ssyncset.done $0x0  }
0x63: {  	s25 =	sadd.s32 s24, s15;
	[sflag:s17] =	ssyncadd.s32 $0xFFFFD800  }
0x64: {  	[tilespmem:s3], [sflag:$0x2] =	stream.linear.gather [hbm4b:s25+s3], $0x50, $0x38;
	[tilespmem:$0x19100] =	vst v63  }
0x65: {  	_ =	swait.ge [sflag:s17], $0x50  }
0x66: {  	[sflag:s17] =	ssyncset.done $0x0  }
0x67: {  	s29 =	sadd.s32 s24, s14;
	[sflag:s17] =	ssyncadd.s32 $0xFFFFFFB0  }
0x68: {  	[tilespmem:s18], [sflag:$0x2] =	stream.linear.gather [hbm4b:s29+s3], $0x50, $0x38;
	[tilespmem:$0x19100] =	vst v63  }
0x69: {  	_ =	swait.ge [sflag:s17], $0x50  }
0x6a: {  	[sflag:s17] =	ssyncset.done $0x0  }
0x6b: {  	[sflag:s17] =	ssyncadd.s32 $0xFFFFFFB0  }
0x6c: {  	[tilespmem:s20], [sflag:$0x1] =	stream.indirect.gather [hbm4b:s4+s19], $0x80, s3, s19, $0xb8;
	[tilespmem:$0x19100] =	vst v63  }
0x6d: {  	_ =	swait.ge [sflag:s21], $0x2800  }
0x6e: {  	[sflag:s21] =	ssyncset.done $0x0  }
0x6f: {  	[sflag:s21] =	ssyncadd.s32 $0xFFFFD800  }
0x70: {  	[spmem:s2] =	stream.indirect.scatter.add.f32 [tilespmem:s20], [sflag:$0x2], $0x80, s18, s19, $0xb8;
	[tilespmem:$0x19100] =	vst v63  }
0x71: {  	_ =	swait.ge [sflag:s17], $0x2800  }
0x72: {  	s30 =	sshll.u32 s1, $0x6;
	s23 =	sadd.s32 $0x1, s23;
	[sflag:s17] =	ssyncset.done $0x0  }
0x73: {  	s31 =	sshrl.u32 s5, $0x3;
	p0 =	sne.s32 s23, s13;
	[sflag:s17] =	ssyncadd.s32 $0xFFFFD800  }
.Ltmp2:
0x74: {  	s24 =	sor.u32 $0x1C02, s30;
	[bflag:$0x0] =	sbarrier.arrive $0xFFFF;
	(pc) =	sbr.rel @p0 .LBB2_1-.Ltmp2, $4  }
0x75: {  	[hbm:s22], [sflag:s24] =	dma.local [spmem:s31], $0x2800  }
0x76: {  	_ =	swait.ge [sflag:s17], $0x2800  }
0x77: {  	[sflag:s17] =	ssyncset.done $0x0  }
0x78: {  	[sflag:s17] =	ssyncadd.s32 $0xFFFFD800  }
0x79: {  	_ =	sfence.sel $0x180000  }
0x7a: {  	[bflag:$0x0] =	sbarrier.arrive $0xFFFF  }
0x7b: {  	p0 =	sne.s32 s1, $0x0;
	_ =	strace $0x9000004D  }
0x7c: {  	s0 =	sadd.s32 @!p0 $0x100000, s0;
	[bflag:$0x2] =	sbarrier.arrive $0xFFFF  }
0x7d: {  	[sflag:s0] =	ssyncadd.tile.s32 @!p0 $0x1;
	_ =	shalt  }
.Lfunc_end2:
_tile_overlayer_lowered:
.L_overlay_start_2:
0x7e: {  	(tag) =	ssettag $0x2  }
0x7f: {  	s0 =	rddreg [dreg:$0x0];
	s2 =	stileid.u32  }
0x80: {  	s1 =	rddreg [dreg:$0x1];
	p0 =	sne.s32 s2, $0x0  }
0x81: {  	s3 =	rddreg [dreg:$0x2];
	[bflag:$0x3] =	sbarrier.arrive $0xFFFF;
	s2 =	simm.s32 @!p0 $0x1C02  }
0x82: {  	[timem:s3], [sflag:s2] =	dma.local @!p0 [hbm:s0], s1  }
0x83: {  	s0 =	simm.s32 @!p0 $0x2  }
0x84: {  	_ =	swait.ge @!p0 [sflag:s0], s1  }
0x85: {  	s1 =	ssub.s32 @!p0 $0x0, s1;
	[sflag:s0] =	ssyncset.done @!p0 $0x0  }
0x86: {  	[sflag:s0] =	ssyncadd.s32 @!p0 s1  }
0x87: {  	[bflag:$0x3] =	sbarrier.arrive $0xFFFF  }
0x88: {  	_ =	shalt  }

// kernel: kernel.8.cloned.1.call-start
scs
__scs_entry_jumppad:
0x0: {  	(pc) =	sbr.rel $0x88, $3  }
0x1: {  	(tag) =	ssettag $0x0;
	lr =	simm.s32 $0x1  }
0x2: {  	[smem:$0x3F9B] =	sst lr;
	_ =	strace $0xD0000000  }
0x3: {  	_ = 	snop  }
0x4: {  	_ = 	snop  }
0x5: {  	_ = 	snop  }
0x6: {  	_ = 	snop  }
0x7: {  	_ = 	snop  }
__scs_overlays_trampoline_lowered:
0x8: {  	[smem:$0x3FAA] =	sst s0  }
0x9: {  	[smem:$0x3FAB] =	sst s1  }
0xa: {  	[smem:$0x3FAC] =	sst s2  }
0xb: {  	[smem:$0x3FAD] =	sst s3  }
0xc: {  	[smem:$0x3FAE] =	sst s4  }
0xd: {  	[smem:$0x3FAF] =	sst s5  }
0xe: {  	[smem:$0x3FB0] =	sst s6  }
0xf: {  	[smem:$0x3FB1] =	sst s7  }
0x10: {  	[smem:$0x3FB2] =	sst s8  }
0x11: {  	[smem:$0x3FB3] =	sst s9;
	s0 =	simm.s32 @!p0 $0x0  }
0x12: {  	s1 =	sld [smem:$0x3F99];
	s0 =	simm.s32 @p0 $0x1  }
0x13: {  	[smem:$0x3FB4] =	sst s0;
	s0 =	simm.s32 @!p1 $0x0  }
0x14: {  	s2 =	sld [smem:$0x3F98];
	s0 =	simm.s32 @p1 $0x1  }
0x15: {  	[smem:$0x3FB5] =	sst s0;
	s0 =	simm.s32 @!p2 $0x0  }
0x16: {  	s3 =	sld [smem:$0x3FDB];
	s0 =	simm.s32 @p2 $0x1  }
0x17: {  	s4 =	simm.s32 $0x1BF5;
	[smem:$0x3FB7] =	sst s0  }
0x18: {  	s0 =	sld [smem:$0x3F9A];
	_ =	swait.ge [sflag:s4], $0x0  }
0x19: {  	s7 =	sld [smem:$0x3F9B]  }
0x1a: {  	s8 =	sadd.s32 $0xFFFFE003, lr  }
0x1b: {  	s9 =	sadd.s32 $0xFFFFFEF7, lr;
	s5 =	simm.s32 $0xFFFFFFFF;
	p2 =	slt.u32 s8, $0xFFFFF086  }
0x1c: {  	p1 =	slt.u32 s9, $0xF7A;
	s5 =	simm.s32 @!p2 $0x0  }
0x1d: {  	s5 =	simm.s32 @p1 $0x1;
	p0 =	seq.s32 s7, s2  }
0x1e: {  	s7 =	smul.u32 @!p0 $0xF7A, s2;
	p2 =	seq.s32 @!p0 s5, $0x0  }
0x1f: {  	s9 =	smul.u32 $0xF7A, s1;
	s8 =	simm.s32 @!p0 $0x1BF5;
	p2 =	por !p2, p0  }
0x20: {  	[sflag:s8] =	ssyncset.s32 @!p0 $0xFFFFF086;
	s6 =	sadd.s32 @!p0 s3, s7;
	s7 =	simm.s32 @!p0 $0x108  }
0x21: {  	s3 =	sadd.s32 s3, s9;
	s6 =	sadd.s32 @!p0 $0x88, s6;
	s7 =	simm.s32 @p2 $0x1082  }
0x22: {  	[simem:s7], [sflag:s8] =	dma.local @!p0 [hbm:s6], $0xF7A  }
0x23: {  	s9 =	sor.u32 $0xD0000000, s2;
	s6 =	simm.s32 $0x108;
	_ =	swait.ge @!p0 [sflag:s8], $0x0  }
0x24: {  	s3 =	sadd.s32 $0x88, s3;
	s6 =	simm.s32 @!p1 $0x1082;
	[sflag:s4] =	ssyncset.s32 $0xFFFFF086  }
0x25: {  	[simem:s6], [sflag:s4] =	dma.local [hbm:s3], $0xF7A  }
0x26: {  	[smem:$0x3F9B] =	sst s1;
	(tag) =	ssettag s2;
	_ =	strace s9  }
0x27: {  	s1 =	sld [smem:$0x3FAB]  }
0x28: {  	s2 =	sld [smem:$0x3FAC]  }
0x29: {  	s4 =	sld [smem:$0x3FAE]  }
0x2a: {  	p0 =	seq.s32 s5, $0x0;
	s5 =	sld [smem:$0x3FAF]  }
0x2b: {  	s6 =	sld [smem:$0x3FB0]  }
0x2c: {  	s7 =	sld [smem:$0x3FB1]  }
0x2d: {  	s3 =	simm.s32 $0x108;
	s8 =	sld [smem:$0x3FB2]  }
0x2e: {  	s3 =	simm.s32 @!p0 $0x1082;
	s9 =	sld [smem:$0x3FB3]  }
0x2f: {  	lr =	sadd.s32 s0, s3;
	s0 =	sld [smem:$0x3FAA]  }
0x30: {  	s3 =	sld [smem:$0x3FAD]  }
0x31: {  	[smem:$0x3FB6] =	sst s10  }
0x32: {  	s10 =	sld [smem:$0x3FB4];
	_ =	sdelay $0x3  }
0x33: {  	p0 =	seq.s32 s10, $0x1;
	s10 =	sld [smem:$0x3FB6];
	_ =	sdelay $0x3  }
0x34: {  	[smem:$0x3FB6] =	sst s10  }
0x35: {  	s10 =	sld [smem:$0x3FB5];
	_ =	sdelay $0x3  }
0x36: {  	p1 =	seq.s32 s10, $0x1;
	s10 =	sld [smem:$0x3FB6];
	_ =	sdelay $0x3  }
0x37: {  	[smem:$0x3FB6] =	sst s10  }
0x38: {  	s10 =	sld [smem:$0x3FB7]  }
0x39: {  	_ = 	snop;
	(pc) =	sbr.ind lr, $3  }
0x3a: {  	_ = 	snop  }
0x3b: {  	_ = 	snop  }
0x3c: {  	p2 =	seq.s32 s10, $0x1;
	s10 =	sld [smem:$0x3FB6]  }
0x3d: {  	_ =	shalt  }
0x3e: {  	_ =	shalt  }
0x3f: {  	_ =	shalt  }
0x40: {  	_ =	shalt  }
0x41: {  	_ =	shalt  }
0x42: {  	_ =	shalt  }
0x43: {  	_ =	shalt  }
0x44: {  	_ =	shalt  }
0x45: {  	_ =	shalt  }
0x46: {  	_ =	shalt  }
0x47: {  	_ =	shalt  }
0x48: {  	_ =	shalt  }
0x49: {  	_ =	shalt  }
0x4a: {  	_ =	shalt  }
0x4b: {  	_ =	shalt  }
0x4c: {  	_ =	shalt  }
0x4d: {  	_ =	shalt  }
0x4e: {  	_ =	shalt  }
0x4f: {  	_ =	shalt  }
0x50: {  	_ =	shalt  }
0x51: {  	_ =	shalt  }
0x52: {  	_ =	shalt  }
0x53: {  	_ =	shalt  }
0x54: {  	_ =	shalt  }
0x55: {  	_ =	shalt  }
0x56: {  	_ =	shalt  }
0x57: {  	_ =	shalt  }
0x58: {  	_ =	shalt  }
0x59: {  	_ =	shalt  }
0x5a: {  	_ =	shalt  }
0x5b: {  	_ =	shalt  }
0x5c: {  	_ =	shalt  }
0x5d: {  	_ =	shalt  }
0x5e: {  	_ =	shalt  }
0x5f: {  	_ =	shalt  }
0x60: {  	_ =	shalt  }
0x61: {  	_ =	shalt  }
0x62: {  	_ =	shalt  }
0x63: {  	_ =	shalt  }
0x64: {  	_ =	shalt  }
0x65: {  	_ =	shalt  }
0x66: {  	_ =	shalt  }
0x67: {  	_ =	shalt  }
0x68: {  	_ =	shalt  }
0x69: {  	_ =	shalt  }
0x6a: {  	_ =	shalt  }
0x6b: {  	_ =	shalt  }
0x6c: {  	_ =	shalt  }
0x6d: {  	_ =	shalt  }
0x6e: {  	_ =	shalt  }
0x6f: {  	_ =	shalt  }
0x70: {  	_ =	shalt  }
0x71: {  	_ =	shalt  }
0x72: {  	_ =	shalt  }
0x73: {  	_ =	shalt  }
0x74: {  	_ =	shalt  }
0x75: {  	_ =	shalt  }
0x76: {  	_ =	shalt  }
0x77: {  	_ =	shalt  }
0x78: {  	_ =	shalt  }
0x79: {  	_ =	shalt  }
0x7a: {  	_ =	shalt  }
0x7b: {  	_ =	shalt  }
0x7c: {  	_ =	shalt  }
0x7d: {  	_ =	shalt  }
0x7e: {  	_ =	shalt  }
0x7f: {  	_ =	shalt  }
0x80: {  	_ =	shalt  }
0x81: {  	_ =	shalt  }
0x82: {  	_ =	shalt  }
0x83: {  	_ =	shalt  }
0x84: {  	_ =	shalt  }
0x85: {  	_ =	shalt  }
0x86: {  	_ =	shalt  }
0x87: {  	_ =	shalt  }
.Lfunc_end0:
.L_simem_size_0:
called_computation_lowered:
.L_overlay_start_0:
0x88: {  	s2 =	sld [smem:$0x3FD9]  }
0x89: {  	s3 =	sld [smem:$0x3FFE];
	_ =	sdelay $0x1  }
0x8a: {  	s1 =	srdreg.scid  }
0x8b: {  	s0 =	sand.u32 $0x1, s1  }
0x8c: {  	s16 =	sshll.u32 s0, $0xA;
	s2 =	sadd.s32 s3, s2  }
0x8d: {  	s2 =	sadd.s32 s2, s16  }
0x8e: {  	[smem:$0x3FC2] =	sst s2  }
0x8f: {  	_ = 	snop  }
0x90: {  	(tm) =	ssettm $0x1  }
0x91: {  	s17 =	sld [smem:$0x3FFB];
	_ =	sdelay $0x3  }
0x92: {  	_ =	strace s17  }
0x93: {  	s2 =	sld [smem:$0x3FFC];
	_ =	sdelay $0x3  }
0x94: {  	_ =	strace s2  }
0x95: {  	s2 =	sld [smem:$0x3FFD];
	_ =	sdelay $0x3  }
0x96: {  	_ =	strace s2  }
0x97: {  	_ =	strace $0x8FFFFFFF  }
0x98: {  	s18 =	sld [smem:$0x3FDB];
	_ =	sdelay $0x1  }
0x99: {  	s19 =	simm.s32 $_scs_section_size  }
0x9a: {  	s4 =	simm.s32 $_size__tile_overlayer_lowered;
	s5 =	simm.s32 $_tile_overlayer_lowered  }
0x9b: {  	s22 =	simm.s32 $0x1BFF;
	s21 =	sshll.u32 s5, $0x1;
	s2 =	sadd.s32 s19, s18  }
0x9c: {  	s6 =	simm.s32 $0x0;
	s20 =	sshll.u32 s4, $0x1;
	s4 =	sadd.s32 s21, s2  }
0x9d: {  	[timem:s6], [sflag:s22] =	dma.local [hbm:s4], s20  }
0x9e: {  	_ =	swait.ge [sflag:s22], s20  }
0x9f: {  	s3 =	ssub.s32 $0x0, s20;
	[sflag:s22] =	ssyncset.done $0x0  }
0xa0: {  	[sflag:s22] =	ssyncadd.s32 s3;
	_ =	sdelay $0x1  }
0xa1: {  	s23 =	simm.s32 $0x1B8B  }
0xa2: {  	_ =	swait.ge [sflag:s23], $0x1  }
0xa3: {  	[sflag:s23] =	ssyncset.done $0x0  }
0xa4: {  	s25 =	simm.s32 $0x1B8E;
	s24 =	sld [smem:$0x3FFE];
	[sflag:s23] =	ssyncadd.s32 $0xFFFFFFFF  }
0xa5: {  	s26 =	simm.s32 $execute0_lowered;
	[smem:$0x3FD2] =	sst s25  }
0xa6: {  	s4 =	sshll.u32 s26, $0x1;
	_ =	strace $0x80000046;
	[dreg:$0x1] =	wrdreg $0xFFFFFFFF  }
0xa7: {  	s28 =	simm.s32 $_size_execute0_lowered;
	s2 =	sadd.s32 s2, s4;
	[dreg:$0x0] =	wrdreg $0x0  }
0xa8: {  	s4 =	sshll.u32 s28, $0x1;
	[dreg:$0x2] =	wrdreg s2  }
0xa9: {  	[dreg:$0x3] =	wrdreg s4  }
0xaa: {  	[dreg:$0x4] =	wrdreg $0xC0  }
0xab: {  	_ =	task [dreg:s6], $0x5FFFF  }
0xac: {  	[dreg:$0x1] =	wrdreg $0xFFFFFFFF  }
0xad: {  	[dreg:$0x0] =	wrdreg $0x60  }
0xae: {  	[dreg:$0x2] =	wrdreg s24  }
0xaf: {  	[dreg:$0x3] =	wrdreg $0x28800  }
0xb0: {  	[dreg:$0x4] =	wrdreg $0x9  }
0xb1: {  	_ =	task.clear_ibuf [dreg:s6], $0x5FFFF;
	_ =	strace $0x90000046  }
0xb2: {  	s29 =	simm.s32 $0x9;
	_ =	strace $0x80000048  }
0xb3: {  	_ =	swait.ge [sflag:s29], $0x1  }
0xb4: {  	[sflag:s29] =	ssyncadd.s32 $0xFFFFFFFF  }
0xb5: {  	_ =	strace $0x90000048  }
0xb6: {  	_ =	sfence  }
0xb7: {  	s30 =	sld [smem:$0x0];
	_ =	sdelay $0x2  }
0xb8: {  	s31 =	sshll.u32 s1, $0xD;
	s1 =	sshrl.u32 s1, $0x2  }
0xb9: {  	s3 =	sand.u32 $0x4000, s31;
	s1 =	sadd.s32 s1, s30  }
0xba: {  	s0 =	sor.u32 s3, s0;
	s1 =	sshll.u32 s1, $0x11  }
0xbb: {  	s0 =	sor.u32 s1, s0  }
0xbc: {  	s0 =	sadd.s32 $0x8F2B, s0  }
0xbd: {  	[sflag:s0] =	ssyncadd.remote.s32 $0x1  }
0xbe: {  	_ =	sfence.sel $0xFFFF  }
0xbf: {  	[dreg:$0x0] =	wrdreg $0xFFFFFFFF;
	(pc) =	sbr.abs _section_cstart, $3  }
0xc0: {  	[dreg:$0x1] =	wrdreg $0xFFFFFFFF  }
0xc1: {  	_ =	task.clear_ibuf [dreg:s6], $0x2FFFF;
	_ =	strace $0x9FFFFFFF  }
0xc2: {  	(tm) =	ssettm $0x7FFFFFFF  }
0xc3: {  	_ =	shalt  }
tec
execute0_lowered:
.L_overlay_start_1:
0x0: {  	(tag) =	ssettag $0x1  }
0x1: {  	s5 =	rddreg [dreg:$0x0]  }
0x2: {  	s0 =	srdreg.scid;
	s2 =	rddreg [dreg:$0x1]  }
0x3: {  	s1 =	rddreg [dreg:$0x2];
	s4 =	sand.u32 $0x1, s0  }
0x4: {  	s3 =	simm.s32 $0x0;
	s0 =	stileid.u32;
	s6 =	smul.u32 $0x27100, s4  }
0x5: {  	s15 =	simm.s32 $0x1;
	s16 =	simm.s32 $0x50;
	s7 =	smul.u32 $0x2710, s0  }
0x6: {  	s20 =	simm.s32 $0x0;
	[smem:$0x7FF] =	sst s3;
	s28 =	smul.u32 $0x50000, s0  }
0x7: {  	_ =	strace $0x80000047;
	s8 =	smul.u32 $0x28000, s4;
	s9 =	ssub.s32 $0x2, s4  }
0x8: {  	s18 =	smul.u32 $0x2800, s0;
	s31 =	sshll.u32 s0, $0x6;
	s30 =	sshrl.u32 s9, $0x1  }
0x9: {  	s6 =	sadd.s32 s7, s6;
	s29 =	sshrl.u32 s28, $0x2;
	s12 =	sadd.s32 s8, s5  }
0xa: {  	s14 =	ssub.s32 s9, s30;
	s6 =	sshrl.u32 s6, $0x3;
	s4 =	sadd.s32 s29, s2  }
0xb: {  	s17 =	sadd.s32 $0xD000, s12;
	s12 =	smax.u32 s14, $0x1;
	s14 =	simm.s32 $0x80  }
0xc: {  	s13 =	sadd.s32 s6, s5;
	s5 =	sadd.s32 $0x2800, s4;
	s6 =	sadd.s32 $0x5000, s4  }
0xd: {  	s7 =	sadd.s32 $0x7800, s4;
	s8 =	sadd.s32 $0xA000, s4;
	s9 =	sadd.s32 $0xC800, s4  }
0xe: {  	s10 =	sadd.s32 $0xF000, s4;
	s11 =	sadd.s32 $0x11800, s4;
	s17 =	sadd.s32 s18, s17  }
0xf: {  	v0 =	vimm.f32 $0.0e+00;
	v1 =	vimm.f32 $1.000000000e+00;
	s18 =	sor.u32 $0x1C01, s31;
	s19 =	sshrl.u32 s4, $0x3;
	s13 =	sadd.s32 $0x3200, s13  }
.LBB2_1:
0x10: {  	s21 =	simm.s32 $0x0;
	s22 =	simm.s32 $0x200  }
.LBB2_2:
0x11: {  	p0 =	sne.s32 s22, $0x9E00;
	[tilespmem:s21+$0xF0] =	vst v0  }
0x12: {  	[tilespmem:s21+$0x80] =	vst v0  }
0x13: {  	[tilespmem:s21+$0x90] =	vst v0  }
.Ltmp0:
0x14: {  	[tilespmem:s21+$0xA0] =	vst v0;
	(pc) =	sbr.rel @p0 .LBB2_2-.Ltmp0, $4  }
0x15: {  	[tilespmem:s21+$0xB0] =	vst v0  }
0x16: {  	[tilespmem:s21+$0xC0] =	vst v0  }
0x17: {  	[tilespmem:s21+$0xD0] =	vst v0  }
0x18: {  	[tilespmem:s21+$0xE0] =	vst v0;
	s21 =	sshra.s32 s22, $0x2;
	s22 =	sadd.s32 $0x200, s22  }
0x19: {  	[tilespmem:s21+$0xF0] =	vst v0  }
0x1a: {  	[tilespmem:s21+$0x80] =	vst v0  }
0x1b: {  	[tilespmem:s21+$0x90] =	vst v0  }
0x1c: {  	[tilespmem:s21+$0xA0] =	vst v0  }
0x1d: {  	[tilespmem:s21+$0xB0] =	vst v0  }
0x1e: {  	[tilespmem:s21+$0xC0] =	vst v0  }
0x1f: {  	[tilespmem:s21+$0xD0] =	vst v0  }
0x20: {  	[tilespmem:s21+$0xE0] =	vst v0  }
0x21: {  	[spmem:s4] =	stream.linear.scatter [tilespmem:s14], [sflag:$0x1], $0x2800, $0x38;
	[tilespmem:$0x16880] =	vst v63  }
0x22: {  	_ =	swait.ge [sflag:s15], $0x2800  }
0x23: {  	[sflag:s15] =	ssyncset.done $0x0  }
0x24: {  	[sflag:s15] =	ssyncadd.s32 $0xFFFFD800  }
0x25: {  	[spmem:s5] =	stream.linear.scatter [tilespmem:s14], [sflag:$0x1], $0x2800, $0x38;
	[tilespmem:$0x16880] =	vst v63  }
0x26: {  	_ =	swait.ge [sflag:s15], $0x2800  }
0x27: {  	[sflag:s15] =	ssyncset.done $0x0  }
0x28: {  	[sflag:s15] =	ssyncadd.s32 $0xFFFFD800  }
0x29: {  	[spmem:s6] =	stream.linear.scatter [tilespmem:s14], [sflag:$0x1], $0x2800, $0x38;
	[tilespmem:$0x16880] =	vst v63  }
0x2a: {  	_ =	swait.ge [sflag:s15], $0x2800  }
0x2b: {  	[sflag:s15] =	ssyncset.done $0x0  }
0x2c: {  	[sflag:s15] =	ssyncadd.s32 $0xFFFFD800  }
0x2d: {  	[spmem:s7] =	stream.linear.scatter [tilespmem:s14], [sflag:$0x1], $0x2800, $0x38;
	[tilespmem:$0x16880] =	vst v63  }
0x2e: {  	_ =	swait.ge [sflag:s15], $0x2800  }
0x2f: {  	[sflag:s15] =	ssyncset.done $0x0  }
0x30: {  	[sflag:s15] =	ssyncadd.s32 $0xFFFFD800  }
0x31: {  	[spmem:s8] =	stream.linear.scatter [tilespmem:s14], [sflag:$0x1], $0x2800, $0x38;
	[tilespmem:$0x16880] =	vst v63  }
0x32: {  	_ =	swait.ge [sflag:s15], $0x2800  }
0x33: {  	[sflag:s15] =	ssyncset.done $0x0  }
0x34: {  	[sflag:s15] =	ssyncadd.s32 $0xFFFFD800  }
0x35: {  	[spmem:s9] =	stream.linear.scatter [tilespmem:s14], [sflag:$0x1], $0x2800, $0x38;
	[tilespmem:$0x16880] =	vst v63  }
0x36: {  	_ =	swait.ge [sflag:s15], $0x2800  }
0x37: {  	[sflag:s15] =	ssyncset.done $0x0  }
0x38: {  	[sflag:s15] =	ssyncadd.s32 $0xFFFFD800  }
0x39: {  	[spmem:s10] =	stream.linear.scatter [tilespmem:s14], [sflag:$0x1], $0x2800, $0x38;
	[tilespmem:$0x16880] =	vst v63  }
0x3a: {  	_ =	swait.ge [sflag:s15], $0x2800  }
0x3b: {  	[sflag:s15] =	ssyncset.done $0x0  }
0x3c: {  	[sflag:s15] =	ssyncadd.s32 $0xFFFFD800  }
0x3d: {  	[spmem:s11] =	stream.linear.scatter [tilespmem:s14], [sflag:$0x1], $0x2800, $0x38;
	[tilespmem:$0x16880] =	vst v63  }
0x3e: {  	_ =	swait.ge [sflag:s15], $0x2800  }
0x3f: {  	[sflag:s15] =	ssyncset.done $0x0  }
0x40: {  	s21 =	simm.s32 $0x0;
	s22 =	simm.s32 $0x200;
	[sflag:s15] =	ssyncadd.s32 $0xFFFFD800  }
.LBB2_4:
0x41: {  	p0 =	sne.s32 s22, $0x9E00;
	[tilespmem:s21+$0xF0] =	vst v1  }
0x42: {  	[tilespmem:s21+$0x80] =	vst v1  }
0x43: {  	[tilespmem:s21+$0x90] =	vst v1  }
.Ltmp1:
0x44: {  	[tilespmem:s21+$0xA0] =	vst v1;
	(pc) =	sbr.rel @p0 .LBB2_4-.Ltmp1, $4  }
0x45: {  	[tilespmem:s21+$0xB0] =	vst v1  }
0x46: {  	[tilespmem:s21+$0xC0] =	vst v1  }
0x47: {  	[tilespmem:s21+$0xD0] =	vst v1  }
0x48: {  	[tilespmem:s21+$0xE0] =	vst v1;
	s21 =	sshra.s32 s22, $0x2;
	s22 =	sadd.s32 $0x200, s22  }
0x49: {  	[tilespmem:s21+$0xF0] =	vst v1  }
0x4a: {  	[tilespmem:s21+$0x80] =	vst v1  }
0x4b: {  	[tilespmem:s21+$0x90] =	vst v1  }
0x4c: {  	[tilespmem:s21+$0xA0] =	vst v1  }
0x4d: {  	[tilespmem:s21+$0xB0] =	vst v1  }
0x4e: {  	[tilespmem:s21+$0xC0] =	vst v1  }
0x4f: {  	[tilespmem:s21+$0xD0] =	vst v1  }
0x50: {  	[tilespmem:s21+$0xE0] =	vst v1  }
0x51: {  	s31 =	sadd.s32 $0x0, s13;
	[bflag:$0x0] =	sbarrier.arrive $0xFFFF  }
0x52: {  	[tilespmem:s3], [sflag:$0x1] =	stream.linear.gather [hbm4b:s31+s3], $0x50, $0x38;
	[tilespmem:$0x16880] =	vst v63  }
0x53: {  	_ =	swait.ge [sflag:s15], $0x50  }
0x54: {  	[sflag:s15] =	ssyncset.done $0x0  }
0x55: {  	[sflag:s15] =	ssyncadd.s32 $0xFFFFFFB0  }
0x56: {  	[spmem:s2] =	stream.indirect.scatter.add.f32 [tilespmem:s14], [sflag:$0x1], $0x80, s3, s16, $0xb8;
	[tilespmem:$0x16880] =	vst v63  }
0x57: {  	_ =	swait.ge [sflag:s15], $0x2800  }
0x58: {  	s21 =	simm.s32 $0xA;
	s22 =	simm.s32 $0x14;
	[sflag:s15] =	ssyncset.done $0x0  }
.LBB2_6:
0x59: {  	s23 =	sadd.s32 s21, s13  }
0x5a: {  	[sflag:s15] =	ssyncadd.s32 $0xFFFFD800;
	s21 =	smov.u32 s22;
	s24 =	sadd.s32 $0xA, s22  }
0x5b: {  	[tilespmem:s3], [sflag:$0x1] =	stream.linear.gather [hbm4b:s23+s3], $0x50, $0x38;
	[tilespmem:$0x16880] =	vst v63  }
0x5c: {  	p0 =	sne.s32 s22, $0x4D8;
	_ =	swait.ge [sflag:s15], $0x50  }
.Ltmp2:
0x5d: {  	[sflag:s15] =	ssyncset.done $0x0;
	(pc) =	sbr.rel @p0 .LBB2_6-.Ltmp2, $4  }
0x5e: {  	[sflag:s15] =	ssyncadd.s32 $0xFFFFFFB0  }
0x5f: {  	[spmem:s2] =	stream.indirect.scatter.add.f32 [tilespmem:s14], [sflag:$0x1], $0x80, s3, s16, $0xb8;
	[tilespmem:$0x16880] =	vst v63  }
0x60: {  	_ =	swait.ge [sflag:s15], $0x2800  }
0x61: {  	s22 =	smov.u32 s24;
	[sflag:s15] =	ssyncset.done $0x0  }
0x62: {  	s21 =	sadd.s32 s21, s13;
	[sflag:s15] =	ssyncadd.s32 $0xFFFFD800  }
0x63: {  	[tilespmem:s3], [sflag:$0x1] =	stream.linear.gather [hbm4b:s21+s3], $0x50, $0x38;
	[tilespmem:$0x16880] =	vst v63  }
0x64: {  	_ =	swait.ge [sflag:s15], $0x50  }
0x65: {  	[sflag:s15] =	ssyncset.done $0x0  }
0x66: {  	[sflag:s15] =	ssyncadd.s32 $0xFFFFFFB0  }
0x67: {  	[spmem:s2] =	stream.indirect.scatter.add.f32 [tilespmem:s14], [sflag:$0x1], $0x80, s3, s16, $0xb8;
	[tilespmem:$0x16880] =	vst v63  }
0x68: {  	_ =	swait.ge [sflag:s15], $0x2800  }
0x69: {  	s20 =	sadd.s32 $0x1, s20;
	[sflag:s15] =	ssyncset.done $0x0  }
0x6a: {  	p0 =	sne.s32 s20, s12;
	[sflag:s15] =	ssyncadd.s32 $0xFFFFD800  }
.Ltmp3:
0x6b: {  	[bflag:$0x0] =	sbarrier.arrive $0xFFFF;
	(pc) =	sbr.rel @p0 .LBB2_1-.Ltmp3, $4  }
0x6c: {  	[hbm:s17], [sflag:s18] =	dma.local [spmem:s19], $0x2800  }
0x6d: {  	_ =	swait.ge [sflag:s15], $0x2800  }
0x6e: {  	[sflag:s15] =	ssyncset.done $0x0  }
0x6f: {  	[sflag:s15] =	ssyncadd.s32 $0xFFFFD800  }
0x70: {  	_ =	sfence.sel $0x180000  }
0x71: {  	[bflag:$0x0] =	sbarrier.arrive $0xFFFF  }
0x72: {  	p0 =	sne.s32 s0, $0x0;
	_ =	strace $0x90000047  }
0x73: {  	s0 =	sadd.s32 @!p0 $0x100000, s1;
	[bflag:$0x2] =	sbarrier.arrive $0xFFFF  }
0x74: {  	[sflag:s0] =	ssyncadd.tile.s32 @!p0 $0x1;
	_ =	shalt  }
.Lfunc_end2:
_tile_overlayer_lowered:
.L_overlay_start_2:
0x75: {  	(tag) =	ssettag $0x2  }
0x76: {  	s0 =	rddreg [dreg:$0x0];
	s2 =	stileid.u32  }
0x77: {  	s1 =	rddreg [dreg:$0x1];
	p0 =	sne.s32 s2, $0x0  }
0x78: {  	s3 =	rddreg [dreg:$0x2];
	[bflag:$0x3] =	sbarrier.arrive $0xFFFF;
	s2 =	simm.s32 @!p0 $0x1C01  }
0x79: {  	[timem:s3], [sflag:s2] =	dma.local @!p0 [hbm:s0], s1  }
0x7a: {  	s0 =	simm.s32 @!p0 $0x1  }
0x7b: {  	_ =	swait.ge @!p0 [sflag:s0], s1  }
0x7c: {  	s1 =	ssub.s32 @!p0 $0x0, s1;
	[sflag:s0] =	ssyncset.done @!p0 $0x0  }
0x7d: {  	[sflag:s0] =	ssyncadd.s32 @!p0 s1  }
0x7e: {  	[bflag:$0x3] =	sbarrier.arrive $0xFFFF  }
0x7f: {  	_ =	shalt  }

</sc_bundles>
